<compile_context>
chip_gen: v7x
topology: tpu7x:2x2x1
jax: 0.10.2.dev20260603
libtpu: 0.0.44.dev20260713+nightly
codegen_flags: <defaults>
</compile_context>

<pallas_src>
import jax
import jax.numpy as jnp
from jax import lax
from jax.experimental import pallas as pl
from jax.experimental.pallas import tpu as pltpu
from jax.experimental.pallas import tpu_sc as plsc

NUM_EXPERTS = 64
K = 8
TOKENS = 16384
LANES = 16
NUM_WORKERS = 32
ROW_LANES = 128
NUM_ROWS = TOKENS * NUM_EXPERTS // ROW_LANES
ROWS_PER_WORKER = NUM_ROWS // NUM_WORKERS
CHUNK_ROWS = 128
CHUNKS = ((0, 128), (128, 128))
NUM_CHUNKS = len(CHUNKS)


def _sortd(x):
    sk, _ = plsc.sort_key_val(x, x, descending=True)
    return sk


def _sorta(x):
    sk, _ = plsc.sort_key_val(x, x, descending=False)
    return sk


def _kth_of_token(v0, v1, v2, v3):
    w01 = jnp.maximum(_sortd(v0), _sorta(v1))
    w23 = jnp.maximum(_sortd(v2), _sorta(v3))
    f = jnp.maximum(_sortd(w01), _sorta(w23))
    fs = _sortd(f)
    idx7 = jnp.full((LANES,), K - 1, jnp.int32)
    return fs.at[idx7].get(mode="promise_in_bounds")


def _body(scores_hbm, mask_hbm, gated_hbm,
          in_v, mask_v, gated_v, in_sems, out_sems):
    wid = lax.axis_index("s") * 2 + lax.axis_index("c")
    base = wid * ROWS_PER_WORKER

    def in_copy(c, buf):
        start, rows = CHUNKS[c]
        return pltpu.make_async_copy(
            scores_hbm.at[pl.ds(base + start, rows)],
            in_v.at[buf, pl.ds(0, rows)], in_sems.at[buf])

    def out_copies(c, buf):
        start, rows = CHUNKS[c]
        return (
            pltpu.make_async_copy(
                mask_v.at[buf, pl.ds(0, rows)],
                mask_hbm.at[pl.ds(base + start, rows)],
                out_sems.at[0, buf]),
            pltpu.make_async_copy(
                gated_v.at[buf, pl.ds(0, rows)],
                gated_hbm.at[pl.ds(base + start, rows)],
                out_sems.at[1, buf]),
        )

    in_copy(0, 0).start()
    for c in range(NUM_CHUNKS):
        buf = c % 2
        in_copy(c, buf).wait()
        if c + 1 < NUM_CHUNKS:
            in_copy(c + 1, 1 - buf).start()
        if c >= 2:
            for cp in out_copies(c - 2, buf):
                cp.wait()

        @plsc.parallel_loop(0, CHUNKS[c][1], step=1, unroll=2)
        def _row(r):
            for tok in range(2):
                off = tok * NUM_EXPERTS
                v0 = in_v[buf, r, pl.ds(off, LANES)]
                v1 = in_v[buf, r, pl.ds(off + LANES, LANES)]
                v2 = in_v[buf, r, pl.ds(off + 2 * LANES, LANES)]
                v3 = in_v[buf, r, pl.ds(off + 3 * LANES, LANES)]
                tau = _kth_of_token(v0, v1, v2, v3)
                for j, v in enumerate((v0, v1, v2, v3)):
                    m = jnp.where(v >= tau, 1.0, 0.0).astype(jnp.float32)
                    mask_v[buf, r, pl.ds(off + j * LANES, LANES)] = m
                    gated_v[buf, r, pl.ds(off + j * LANES, LANES)] = v * m

        for cp in out_copies(c, buf):
            cp.start()

    for c in (NUM_CHUNKS - 2, NUM_CHUNKS - 1):
        for cp in out_copies(c, c % 2):
            cp.wait()


@jax.jit
def kernel(routing_tensor):
    packed = routing_tensor.reshape(NUM_ROWS, ROW_LANES)
    out_sds = jax.ShapeDtypeStruct((NUM_ROWS, ROW_LANES), jnp.float32)
    buf = pltpu.VMEM((2, CHUNK_ROWS, ROW_LANES), jnp.float32)
    run = pl.kernel(
        _body,
        out_type=(out_sds, out_sds),
        mesh=plsc.VectorSubcoreMesh(
            core_axis_name="c", subcore_axis_name="s",
            num_cores=2, num_subcores=16,
        ),
        scratch_types=[buf, buf, buf,
                       pltpu.SemaphoreType.DMA((2,)),
                       pltpu.SemaphoreType.DMA((2, 2))],
        compiler_params=pltpu.CompilerParams(needs_layout_passes=False),
    )
    mask_p, gated_p = run(packed)
    shape = (TOKENS, NUM_EXPERTS)
    return mask_p.reshape(shape), gated_p.reshape(shape)

# --- scband reference (transcript-rebuilt; emitter-appended) ---
"""Pipeline reference for scband-top-kgating-2027224564061 (READ-ONLY COPY).

The authoritative reference and input builder live on the scoring server;
editing this copy changes nothing except your own understanding.
"""

import jax, jax.numpy as jnp
import numpy as np

NUM_EXPERTS = 64
K = 8
TOKENS = 16384

def setup_inputs(seed: int = 0) -> dict:
    key = jax.random.key(seed)
    routing_tensor = jax.random.normal(key, (TOKENS, NUM_EXPERTS), dtype=jnp.float32)
    return {"routing_tensor": routing_tensor}

def topk_mask(scores, k):
    top_scores, top_indices = jax.lax.top_k(scores, k)
    rows = jnp.arange(scores.shape[0])[:, None]
    mask = jnp.zeros_like(scores).at[rows, top_indices].set(1.0)
    return mask

def reference(routing_tensor):
    expert_mask = topk_mask(routing_tensor, K)
    gated = routing_tensor * expert_mask
    return (expert_mask, gated)

if __name__ == "__main__":
    import jax
    _d = setup_inputs()
    print(jax.jit(kernel)(*tuple(_d.values())))

</pallas_src>

<mosaic_0001>
#map = affine_map<(d0, d1) -> (0, 0)>
module attributes {stable_mosaic.version = 14 : i64} {
  func.func @_body(%arg0: i32, %arg1: i32, %arg2: memref<8192x128xf32, #tpu.memory_space<hbm>>, %arg3: memref<8192x128xf32, #tpu.memory_space<hbm>>, %arg4: memref<8192x128xf32, #tpu.memory_space<hbm>>, %arg5: memref<2x128x128xf32, #tpu.memory_space<vmem>>, %arg6: memref<2x128x128xf32, #tpu.memory_space<vmem>>, %arg7: memref<2x128x128xf32, #tpu.memory_space<vmem>>, %arg8: memref<2x!tpu.dma_semaphore, #tpu.memory_space<semaphore_mem>>, %arg9: memref<2x2x!tpu.dma_semaphore, #tpu.memory_space<semaphore_mem>>) attributes {dimension_semantics = [#tpu.dimension_semantics<core_parallel>, #tpu.dimension_semantics<subcore_parallel>], iteration_bounds = array<i64: 2, 16>, scalar_prefetch = 0 : i64, scratch_operands = 5 : i64, tpu.core_type = #tpu.core_type<sc_vector_subcore>, window_params = [{transform_indices = #map}, {transform_indices = #map}, {transform_indices = #map}]} {
    %mul3A = arith.constant 2 : i32
    %mul3A_0 = arith.muli %arg1, %mul3A : i32
    %add3A = arith.addi %mul3A_0, %arg0 : i32
    %mul3A_1 = arith.constant 256 : i32
    %mul3A_2 = arith.muli %add3A, %mul3A_1 : i32
    %add3A_3 = arith.constant 0 : i32
    %add3A_4 = arith.addi %mul3A_2, %add3A_3 : i32
    %dma_start3A = arith.constant 0 : i32
    %dma_start3A_5 = arith.constant 0 : i32
    %dma_start3A_6 = arith.constant 0 : i32
    %dma_start3A_7 = arith.constant 0 : i32
    %dma_start3A_8 = tpu.memref_slice %arg5[%dma_start3A, %dma_start3A_6, %dma_start3A_7] : memref<2x128x128xf32, #tpu.memory_space<vmem>> -> memref<1x128x128xf32, #tpu.memory_space<vmem>>
    %dma_start3A_9 = tpu.memref_squeeze %dma_start3A_8 : memref<1x128x128xf32, #tpu.memory_space<vmem>> -> memref<128x128xf32, #tpu.memory_space<vmem>>
    %dma_start3A_10 = arith.constant 0 : i32
    %dma_start3A_11 = tpu.memref_slice %arg2[%add3A_4, %dma_start3A_10] : memref<8192x128xf32, #tpu.memory_space<hbm>> -> memref<128x128xf32, #tpu.memory_space<hbm>>
    %dma_start3A_12 = tpu.memref_slice %arg8[%dma_start3A_5] : memref<2x!tpu.dma_semaphore, #tpu.memory_space<semaphore_mem>> -> memref<1x!tpu.dma_semaphore, #tpu.memory_space<semaphore_mem>>
    %dma_start3A_13 = tpu.memref_squeeze %dma_start3A_12 : memref<1x!tpu.dma_semaphore, #tpu.memory_space<semaphore_mem>> -> memref<!tpu.dma_semaphore, #tpu.memory_space<semaphore_mem>>
    %dma_start3A_14 = arith.constant 0 : i32
    %dma_start3A_15 = arith.constant 0 : i32
    %dma_start3A_16 = tpu.memref_slice %arg5[%dma_start3A, %dma_start3A_14, %dma_start3A_15] : memref<2x128x128xf32, #tpu.memory_space<vmem>> -> memref<1x128x128xf32, #tpu.memory_space<vmem>>
    %dma_start3A_17 = tpu.memref_squeeze %dma_start3A_16 : memref<1x128x128xf32, #tpu.memory_space<vmem>> -> memref<128x128xf32, #tpu.memory_space<vmem>>
    %dma_start3A_18 = arith.constant 0 : i32
    %dma_start3A_19 = tpu.memref_slice %arg2[%add3A_4, %dma_start3A_18] : memref<8192x128xf32, #tpu.memory_space<hbm>> -> memref<128x128xf32, #tpu.memory_space<hbm>>
    tpu.enqueue_dma source(%dma_start3A_19 : memref<128x128xf32, #tpu.memory_space<hbm>>) target(%dma_start3A_17 : memref<128x128xf32, #tpu.memory_space<vmem>>) target_semaphore(%dma_start3A_13 : memref<!tpu.dma_semaphore, #tpu.memory_space<semaphore_mem>>)
    %add3A_20 = arith.constant 0 : i32
    %add3A_21 = arith.addi %mul3A_2, %add3A_20 : i32
    %dma_wait3A = arith.constant 0 : i32
    %dma_wait3A_22 = arith.constant 0 : i32
    %dma_wait3A_23 = arith.constant 0 : i32
    %dma_wait3A_24 = arith.constant 0 : i32
    %dma_wait3A_25 = tpu.memref_slice %arg5[%dma_wait3A, %dma_wait3A_23, %dma_wait3A_24] : memref<2x128x128xf32, #tpu.memory_space<vmem>> -> memref<1x128x128xf32, #tpu.memory_space<vmem>>
    %dma_wait3A_26 = tpu.memref_squeeze %dma_wait3A_25 : memref<1x128x128xf32, #tpu.memory_space<vmem>> -> memref<128x128xf32, #tpu.memory_space<vmem>>
    %dma_wait3A_27 = arith.constant 0 : i32
    %dma_wait3A_28 = tpu.memref_slice %arg2[%add3A_21, %dma_wait3A_27] : memref<8192x128xf32, #tpu.memory_space<hbm>> -> memref<128x128xf32, #tpu.memory_space<hbm>>
    %dma_wait3A_29 = tpu.memref_slice %arg8[%dma_wait3A_22] : memref<2x!tpu.dma_semaphore, #tpu.memory_space<semaphore_mem>> -> memref<1x!tpu.dma_semaphore, #tpu.memory_space<semaphore_mem>>
    %dma_wait3A_30 = tpu.memref_squeeze %dma_wait3A_29 : memref<1x!tpu.dma_semaphore, #tpu.memory_space<semaphore_mem>> -> memref<!tpu.dma_semaphore, #tpu.memory_space<semaphore_mem>>
    %dma_wait3A_31 = arith.constant 0 : i32
    %dma_wait3A_32 = arith.constant 0 : i32
    %dma_wait3A_33 = tpu.memref_slice %arg5[%dma_wait3A, %dma_wait3A_31, %dma_wait3A_32] : memref<2x128x128xf32, #tpu.memory_space<vmem>> -> memref<1x128x128xf32, #tpu.memory_space<vmem>>
    %dma_wait3A_34 = tpu.memref_squeeze %dma_wait3A_33 : memref<1x128x128xf32, #tpu.memory_space<vmem>> -> memref<128x128xf32, #tpu.memory_space<vmem>>
    %dma_wait3A_35 = arith.constant 0 : i32
    %dma_wait3A_36 = tpu.memref_slice %arg2[%add3A_21, %dma_wait3A_35] : memref<8192x128xf32, #tpu.memory_space<hbm>> -> memref<128x128xf32, #tpu.memory_space<hbm>>
    tpu.wait_dma2 semaphore(%dma_wait3A_30 : memref<!tpu.dma_semaphore, #tpu.memory_space<semaphore_mem>>) src(%dma_wait3A_36 : memref<128x128xf32, #tpu.memory_space<hbm>>) dst(%dma_wait3A_34 : memref<128x128xf32, #tpu.memory_space<vmem>>)
    %add3A_37 = arith.constant 128 : i32
    %add3A_38 = arith.addi %mul3A_2, %add3A_37 : i32
    %dma_start3A_39 = arith.constant 1 : i32
    %dma_start3A_40 = arith.constant 1 : i32
    %dma_start3A_41 = arith.constant 0 : i32
    %dma_start3A_42 = arith.constant 0 : i32
    %dma_start3A_43 = tpu.memref_slice %arg5[%dma_start3A_39, %dma_start3A_41, %dma_start3A_42] : memref<2x128x128xf32, #tpu.memory_space<vmem>> -> memref<1x128x128xf32, #tpu.memory_space<vmem>>
    %dma_start3A_44 = tpu.memref_squeeze %dma_start3A_43 : memref<1x128x128xf32, #tpu.memory_space<vmem>> -> memref<128x128xf32, #tpu.memory_space<vmem>>
    %dma_start3A_45 = arith.constant 0 : i32
    %dma_start3A_46 = tpu.memref_slice %arg2[%add3A_38, %dma_start3A_45] : memref<8192x128xf32, #tpu.memory_space<hbm>> -> memref<128x128xf32, #tpu.memory_space<hbm>>
    %dma_start3A_47 = tpu.memref_slice %arg8[%dma_start3A_40] : memref<2x!tpu.dma_semaphore, #tpu.memory_space<semaphore_mem>> -> memref<1x!tpu.dma_semaphore, #tpu.memory_space<semaphore_mem>>
    %dma_start3A_48 = tpu.memref_squeeze %dma_start3A_47 : memref<1x!tpu.dma_semaphore, #tpu.memory_space<semaphore_mem>> -> memref<!tpu.dma_semaphore, #tpu.memory_space<semaphore_mem>>
    %dma_start3A_49 = arith.constant 0 : i32
    %dma_start3A_50 = arith.constant 0 : i32
    %dma_start3A_51 = tpu.memref_slice %arg5[%dma_start3A_39, %dma_start3A_49, %dma_start3A_50] : memref<2x128x128xf32, #tpu.memory_space<vmem>> -> memref<1x128x128xf32, #tpu.memory_space<vmem>>
    %dma_start3A_52 = tpu.memref_squeeze %dma_start3A_51 : memref<1x128x128xf32, #tpu.memory_space<vmem>> -> memref<128x128xf32, #tpu.memory_space<vmem>>
    %dma_start3A_53 = arith.constant 0 : i32
    %dma_start3A_54 = tpu.memref_slice %arg2[%add3A_38, %dma_start3A_53] : memref<8192x128xf32, #tpu.memory_space<hbm>> -> memref<128x128xf32, #tpu.memory_space<hbm>>
    tpu.enqueue_dma source(%dma_start3A_54 : memref<128x128xf32, #tpu.memory_space<hbm>>) target(%dma_start3A_52 : memref<128x128xf32, #tpu.memory_space<vmem>>) target_semaphore(%dma_start3A_48 : memref<!tpu.dma_semaphore, #tpu.memory_space<semaphore_mem>>)
    %parallel_loop3A = arith.constant 0 : i32
    %parallel_loop3A_55 = arith.constant 128 : i32
    %parallel_loop3A_56 = arith.constant 1 : i32
    scf.for %parallel_loop3A_230 = %parallel_loop3A to %parallel_loop3A_55 step %parallel_loop3A_56  : i32 {
      %parallel_loop3A_231 = arith.constant 0 : i32
      %parallel_loop3A_232 = arith.index_cast %parallel_loop3A_231 : i32 to index
      %parallel_loop3A_233 = arith.index_cast %parallel_loop3A_230 : i32 to index
      %parallel_loop3A_234 = arith.constant 0 : index
      %parallel_loop3A_235 = tpu.vector_load %arg5[%parallel_loop3A_232, %parallel_loop3A_233, %parallel_loop3A_234] {strides = array<i32>} : memref<2x128x128xf32, #tpu.memory_space<vmem>>, vector<16xf32>,
      %parallel_loop3A_236 = arith.constant 0 : i32
      %parallel_loop3A_237 = arith.index_cast %parallel_loop3A_236 : i32 to index
      %parallel_loop3A_238 = arith.index_cast %parallel_loop3A_230 : i32 to index
      %parallel_loop3A_239 = arith.constant 16 : index
      %parallel_loop3A_240 = tpu.vector_load %arg5[%parallel_loop3A_237, %parallel_loop3A_238, %parallel_loop3A_239] {strides = array<i32>} : memref<2x128x128xf32, #tpu.memory_space<vmem>>, vector<16xf32>,
      %parallel_loop3A_241 = arith.constant 0 : i32
      %parallel_loop3A_242 = arith.index_cast %parallel_loop3A_241 : i32 to index
      %parallel_loop3A_243 = arith.index_cast %parallel_loop3A_230 : i32 to index
      %parallel_loop3A_244 = arith.constant 32 : index
      %parallel_loop3A_245 = tpu.vector_load %arg5[%parallel_loop3A_242, %parallel_loop3A_243, %parallel_loop3A_244] {strides = array<i32>} : memref<2x128x128xf32, #tpu.memory_space<vmem>>, vector<16xf32>,
      %parallel_loop3A_246 = arith.constant 0 : i32
      %parallel_loop3A_247 = arith.index_cast %parallel_loop3A_246 : i32 to index
      %parallel_loop3A_248 = arith.index_cast %parallel_loop3A_230 : i32 to index
      %parallel_loop3A_249 = arith.constant 48 : index
      %parallel_loop3A_250 = tpu.vector_load %arg5[%parallel_loop3A_247, %parallel_loop3A_248, %parallel_loop3A_249] {strides = array<i32>} : memref<2x128x128xf32, #tpu.memory_space<vmem>>, vector<16xf32>,
      %parallel_loop3A_251 = arith.constant dense<true> : vector<16xi1>
      %parallel_loop3A_252, %parallel_loop3A_253, %parallel_loop3A_254 = tpu.sort %parallel_loop3A_235, %parallel_loop3A_235 masked %parallel_loop3A_251 {descending = true} : (vector<16xf32>, vector<16xf32>, vector<16xi1>) -> (vector<16xi1>, vector<16xf32>, vector<16xf32>)
      %parallel_loop3A_255 = arith.constant dense<true> : vector<16xi1>
      %parallel_loop3A_256, %parallel_loop3A_257, %parallel_loop3A_258 = tpu.sort %parallel_loop3A_240, %parallel_loop3A_240 masked %parallel_loop3A_255 : (vector<16xf32>, vector<16xf32>, vector<16xi1>) -> (vector<16xi1>, vector<16xf32>, vector<16xf32>)
      %parallel_loop3A_259 = arith.maximumf %parallel_loop3A_253, %parallel_loop3A_257 : vector<16xf32>
      %parallel_loop3A_260 = arith.constant dense<true> : vector<16xi1>
      %parallel_loop3A_261, %parallel_loop3A_262, %parallel_loop3A_263 = tpu.sort %parallel_loop3A_245, %parallel_loop3A_245 masked %parallel_loop3A_260 {descending = true} : (vector<16xf32>, vector<16xf32>, vector<16xi1>) -> (vector<16xi1>, vector<16xf32>, vector<16xf32>)
      %parallel_loop3A_264 = arith.constant dense<true> : vector<16xi1>
      %parallel_loop3A_265, %parallel_loop3A_266, %parallel_loop3A_267 = tpu.sort %parallel_loop3A_250, %parallel_loop3A_250 masked %parallel_loop3A_264 : (vector<16xf32>, vector<16xf32>, vector<16xi1>) -> (vector<16xi1>, vector<16xf32>, vector<16xf32>)
      %parallel_loop3A_268 = arith.maximumf %parallel_loop3A_262, %parallel_loop3A_266 : vector<16xf32>
      %parallel_loop3A_269 = arith.constant dense<true> : vector<16xi1>
      %parallel_loop3A_270, %parallel_loop3A_271, %parallel_loop3A_272 = tpu.sort %parallel_loop3A_259, %parallel_loop3A_259 masked %parallel_loop3A_269 {descending = true} : (vector<16xf32>, vector<16xf32>, vector<16xi1>) -> (vector<16xi1>, vector<16xf32>, vector<16xf32>)
      %parallel_loop3A_273 = arith.constant dense<true> : vector<16xi1>
      %parallel_loop3A_274, %parallel_loop3A_275, %parallel_loop3A_276 = tpu.sort %parallel_loop3A_268, %parallel_loop3A_268 masked %parallel_loop3A_273 : (vector<16xf32>, vector<16xf32>, vector<16xi1>) -> (vector<16xi1>, vector<16xf32>, vector<16xf32>)
      %parallel_loop3A_277 = arith.maximumf %parallel_loop3A_271, %parallel_loop3A_275 : vector<16xf32>
      %parallel_loop3A_278 = arith.constant dense<true> : vector<16xi1>
      %parallel_loop3A_279, %parallel_loop3A_280, %parallel_loop3A_281 = tpu.sort %parallel_loop3A_277, %parallel_loop3A_277 masked %parallel_loop3A_278 {descending = true} : (vector<16xf32>, vector<16xf32>, vector<16xi1>) -> (vector<16xi1>, vector<16xf32>, vector<16xf32>)
      %parallel_loop3A_282 = arith.constant 7 : i32
      %parallel_loop3A_283 = vector.broadcast %parallel_loop3A_282 : i32 to vector<16xi32>
      %parallel_loop3A_284 = arith.constant 0 : i32
      %parallel_loop3A_285 = vector.broadcast %parallel_loop3A_284 : i32 to vector<16xi32>
      %parallel_loop3A_286 = arith.cmpi slt, %parallel_loop3A_283, %parallel_loop3A_285 : vector<16xi32>
      %parallel_loop3A_287 = arith.constant 16 : i32
      %parallel_loop3A_288 = vector.broadcast %parallel_loop3A_287 : i32 to vector<16xi32>
      %parallel_loop3A_289 = arith.addi %parallel_loop3A_283, %parallel_loop3A_288 : vector<16xi32>
      %parallel_loop3A_290 = arith.select %parallel_loop3A_286, %parallel_loop3A_289, %parallel_loop3A_283 : vector<16xi1>, vector<16xi32>
      %parallel_loop3A_291 = vector.shape_cast %parallel_loop3A_290 : vector<16xi32> to vector<16x1xi32>
      %parallel_loop3A_292 = vector.shape_cast %parallel_loop3A_291 : vector<16x1xi32> to vector<16xi32>
      %parallel_loop3A_293 = tpu.dynamic_gather %parallel_loop3A_280[%parallel_loop3A_292] in [0] : vector<16xf32>, vector<16xi32> -> vector<16xf32>
      %parallel_loop3A_294 = arith.cmpf oge, %parallel_loop3A_235, %parallel_loop3A_293 : vector<16xf32>
      %parallel_loop3A_295 = arith.constant 1.000000e+00 : f32
      %parallel_loop3A_296 = arith.constant 0.000000e+00 : f32
      %parallel_loop3A_297 = vector.broadcast %parallel_loop3A_295 : f32 to vector<16xf32>
      %parallel_loop3A_298 = vector.broadcast %parallel_loop3A_296 : f32 to vector<16xf32>
      %parallel_loop3A_299 = arith.select %parallel_loop3A_294, %parallel_loop3A_297, %parallel_loop3A_298 : vector<16xi1>, vector<16xf32>
      %parallel_loop3A_300 = arith.constant 0 : i32
      %parallel_loop3A_301 = arith.index_cast %parallel_loop3A_300 : i32 to index
      %parallel_loop3A_302 = arith.index_cast %parallel_loop3A_230 : i32 to index
      %parallel_loop3A_303 = arith.constant 0 : index
      %parallel_loop3A_304 = tpu.vector_load %arg6[%parallel_loop3A_301, %parallel_loop3A_302, %parallel_loop3A_303] {strides = array<i32>} : memref<2x128x128xf32, #tpu.memory_space<vmem>>, vector<16xf32>,
      tpu.vector_store %arg6[%parallel_loop3A_301, %parallel_loop3A_302, %parallel_loop3A_303], %parallel_loop3A_299 {strides = array<i32>} : memref<2x128x128xf32, #tpu.memory_space<vmem>>, vector<16xf32>,
      %parallel_loop3A_305 = arith.mulf %parallel_loop3A_235, %parallel_loop3A_299 : vector<16xf32>
      %parallel_loop3A_306 = arith.constant 0 : i32
      %parallel_loop3A_307 = arith.index_cast %parallel_loop3A_306 : i32 to index
      %parallel_loop3A_308 = arith.index_cast %parallel_loop3A_230 : i32 to index
      %parallel_loop3A_309 = arith.constant 0 : index
      %parallel_loop3A_310 = tpu.vector_load %arg7[%parallel_loop3A_307, %parallel_loop3A_308, %parallel_loop3A_309] {strides = array<i32>} : memref<2x128x128xf32, #tpu.memory_space<vmem>>, vector<16xf32>,
      tpu.vector_store %arg7[%parallel_loop3A_307, %parallel_loop3A_308, %parallel_loop3A_309], %parallel_loop3A_305 {strides = array<i32>} : memref<2x128x128xf32, #tpu.memory_space<vmem>>, vector<16xf32>,
      %parallel_loop3A_311 = arith.cmpf oge, %parallel_loop3A_240, %parallel_loop3A_293 : vector<16xf32>
      %parallel_loop3A_312 = arith.constant 1.000000e+00 : f32
      %parallel_loop3A_313 = arith.constant 0.000000e+00 : f32
      %parallel_loop3A_314 = vector.broadcast %parallel_loop3A_312 : f32 to vector<16xf32>
      %parallel_loop3A_315 = vector.broadcast %parallel_loop3A_313 : f32 to vector<16xf32>
      %parallel_loop3A_316 = arith.select %parallel_loop3A_311, %parallel_loop3A_314, %parallel_loop3A_315 : vector<16xi1>, vector<16xf32>
      %parallel_loop3A_317 = arith.constant 0 : i32
      %parallel_loop3A_318 = arith.index_cast %parallel_loop3A_317 : i32 to index
      %parallel_loop3A_319 = arith.index_cast %parallel_loop3A_230 : i32 to index
      %parallel_loop3A_320 = arith.constant 16 : index
      %parallel_loop3A_321 = tpu.vector_load %arg6[%parallel_loop3A_318, %parallel_loop3A_319, %parallel_loop3A_320] {strides = array<i32>} : memref<2x128x128xf32, #tpu.memory_space<vmem>>, vector<16xf32>,
      tpu.vector_store %arg6[%parallel_loop3A_318, %parallel_loop3A_319, %parallel_loop3A_320], %parallel_loop3A_316 {strides = array<i32>} : memref<2x128x128xf32, #tpu.memory_space<vmem>>, vector<16xf32>,
      %parallel_loop3A_322 = arith.mulf %parallel_loop3A_240, %parallel_loop3A_316 : vector<16xf32>
      %parallel_loop3A_323 = arith.constant 0 : i32
      %parallel_loop3A_324 = arith.index_cast %parallel_loop3A_323 : i32 to index
      %parallel_loop3A_325 = arith.index_cast %parallel_loop3A_230 : i32 to index
      %parallel_loop3A_326 = arith.constant 16 : index
      %parallel_loop3A_327 = tpu.vector_load %arg7[%parallel_loop3A_324, %parallel_loop3A_325, %parallel_loop3A_326] {strides = array<i32>} : memref<2x128x128xf32, #tpu.memory_space<vmem>>, vector<16xf32>,
      tpu.vector_store %arg7[%parallel_loop3A_324, %parallel_loop3A_325, %parallel_loop3A_326], %parallel_loop3A_322 {strides = array<i32>} : memref<2x128x128xf32, #tpu.memory_space<vmem>>, vector<16xf32>,
      %parallel_loop3A_328 = arith.cmpf oge, %parallel_loop3A_245, %parallel_loop3A_293 : vector<16xf32>
      %parallel_loop3A_329 = arith.constant 1.000000e+00 : f32
      %parallel_loop3A_330 = arith.constant 0.000000e+00 : f32
      %parallel_loop3A_331 = vector.broadcast %parallel_loop3A_329 : f32 to vector<16xf32>
      %parallel_loop3A_332 = vector.broadcast %parallel_loop3A_330 : f32 to vector<16xf32>
      %parallel_loop3A_333 = arith.select %parallel_loop3A_328, %parallel_loop3A_331, %parallel_loop3A_332 : vector<16xi1>, vector<16xf32>
      %parallel_loop3A_334 = arith.constant 0 : i32
      %parallel_loop3A_335 = arith.index_cast %parallel_loop3A_334 : i32 to index
      %parallel_loop3A_336 = arith.index_cast %parallel_loop3A_230 : i32 to index
      %parallel_loop3A_337 = arith.constant 32 : index
      %parallel_loop3A_338 = tpu.vector_load %arg6[%parallel_loop3A_335, %parallel_loop3A_336, %parallel_loop3A_337] {strides = array<i32>} : memref<2x128x128xf32, #tpu.memory_space<vmem>>, vector<16xf32>,
      tpu.vector_store %arg6[%parallel_loop3A_335, %parallel_loop3A_336, %parallel_loop3A_337], %parallel_loop3A_333 {strides = array<i32>} : memref<2x128x128xf32, #tpu.memory_space<vmem>>, vector<16xf32>,
      %parallel_loop3A_339 = arith.mulf %parallel_loop3A_245, %parallel_loop3A_333 : vector<16xf32>
      %parallel_loop3A_340 = arith.constant 0 : i32
      %parallel_loop3A_341 = arith.index_cast %parallel_loop3A_340 : i32 to index
      %parallel_loop3A_342 = arith.index_cast %parallel_loop3A_230 : i32 to index
      %parallel_loop3A_343 = arith.constant 32 : index
      %parallel_loop3A_344 = tpu.vector_load %arg7[%parallel_loop3A_341, %parallel_loop3A_342, %parallel_loop3A_343] {strides = array<i32>} : memref<2x128x128xf32, #tpu.memory_space<vmem>>, vector<16xf32>,
      tpu.vector_store %arg7[%parallel_loop3A_341, %parallel_loop3A_342, %parallel_loop3A_343], %parallel_loop3A_339 {strides = array<i32>} : memref<2x128x128xf32, #tpu.memory_space<vmem>>, vector<16xf32>,
      %parallel_loop3A_345 = arith.cmpf oge, %parallel_loop3A_250, %parallel_loop3A_293 : vector<16xf32>
      %parallel_loop3A_346 = arith.constant 1.000000e+00 : f32
      %parallel_loop3A_347 = arith.constant 0.000000e+00 : f32
      %parallel_loop3A_348 = vector.broadcast %parallel_loop3A_346 : f32 to vector<16xf32>
      %parallel_loop3A_349 = vector.broadcast %parallel_loop3A_347 : f32 to vector<16xf32>
      %parallel_loop3A_350 = arith.select %parallel_loop3A_345, %parallel_loop3A_348, %parallel_loop3A_349 : vector<16xi1>, vector<16xf32>
      %parallel_loop3A_351 = arith.constant 0 : i32
      %parallel_loop3A_352 = arith.index_cast %parallel_loop3A_351 : i32 to index
      %parallel_loop3A_353 = arith.index_cast %parallel_loop3A_230 : i32 to index
      %parallel_loop3A_354 = arith.constant 48 : index
      %parallel_loop3A_355 = tpu.vector_load %arg6[%parallel_loop3A_352, %parallel_loop3A_353, %parallel_loop3A_354] {strides = array<i32>} : memref<2x128x128xf32, #tpu.memory_space<vmem>>, vector<16xf32>,
      tpu.vector_store %arg6[%parallel_loop3A_352, %parallel_loop3A_353, %parallel_loop3A_354], %parallel_loop3A_350 {strides = array<i32>} : memref<2x128x128xf32, #tpu.memory_space<vmem>>, vector<16xf32>,
      %parallel_loop3A_356 = arith.mulf %parallel_loop3A_250, %parallel_loop3A_350 : vector<16xf32>
      %parallel_loop3A_357 = arith.constant 0 : i32
      %parallel_loop3A_358 = arith.index_cast %parallel_loop3A_357 : i32 to index
      %parallel_loop3A_359 = arith.index_cast %parallel_loop3A_230 : i32 to index
      %parallel_loop3A_360 = arith.constant 48 : index
      %parallel_loop3A_361 = tpu.vector_load %arg7[%parallel_loop3A_358, %parallel_loop3A_359, %parallel_loop3A_360] {strides = array<i32>} : memref<2x128x128xf32, #tpu.memory_space<vmem>>, vector<16xf32>,
      tpu.vector_store %arg7[%parallel_loop3A_358, %parallel_loop3A_359, %parallel_loop3A_360], %parallel_loop3A_356 {strides = array<i32>} : memref<2x128x128xf32, #tpu.memory_space<vmem>>, vector<16xf32>,
      %parallel_loop3A_362 = arith.constant 0 : i32
      %parallel_loop3A_363 = arith.index_cast %parallel_loop3A_362 : i32 to index
      %parallel_loop3A_364 = arith.index_cast %parallel_loop3A_230 : i32 to index
      %parallel_loop3A_365 = arith.constant 64 : index
      %parallel_loop3A_366 = tpu.vector_load %arg5[%parallel_loop3A_363, %parallel_loop3A_364, %parallel_loop3A_365] {strides = array<i32>} : memref<2x128x128xf32, #tpu.memory_space<vmem>>, vector<16xf32>,
      %parallel_loop3A_367 = arith.constant 0 : i32
      %parallel_loop3A_368 = arith.index_cast %parallel_loop3A_367 : i32 to index
      %parallel_loop3A_369 = arith.index_cast %parallel_loop3A_230 : i32 to index
      %parallel_loop3A_370 = arith.constant 80 : index
      %parallel_loop3A_371 = tpu.vector_load %arg5[%parallel_loop3A_368, %parallel_loop3A_369, %parallel_loop3A_370] {strides = array<i32>} : memref<2x128x128xf32, #tpu.memory_space<vmem>>, vector<16xf32>,
      %parallel_loop3A_372 = arith.constant 0 : i32
      %parallel_loop3A_373 = arith.index_cast %parallel_loop3A_372 : i32 to index
      %parallel_loop3A_374 = arith.index_cast %parallel_loop3A_230 : i32 to index
      %parallel_loop3A_375 = arith.constant 96 : index
      %parallel_loop3A_376 = tpu.vector_load %arg5[%parallel_loop3A_373, %parallel_loop3A_374, %parallel_loop3A_375] {strides = array<i32>} : memref<2x128x128xf32, #tpu.memory_space<vmem>>, vector<16xf32>,
      %parallel_loop3A_377 = arith.constant 0 : i32
      %parallel_loop3A_378 = arith.index_cast %parallel_loop3A_377 : i32 to index
      %parallel_loop3A_379 = arith.index_cast %parallel_loop3A_230 : i32 to index
      %parallel_loop3A_380 = arith.constant 112 : index
      %parallel_loop3A_381 = tpu.vector_load %arg5[%parallel_loop3A_378, %parallel_loop3A_379, %parallel_loop3A_380] {strides = array<i32>} : memref<2x128x128xf32, #tpu.memory_space<vmem>>, vector<16xf32>,
      %parallel_loop3A_382 = arith.constant dense<true> : vector<16xi1>
      %parallel_loop3A_383, %parallel_loop3A_384, %parallel_loop3A_385 = tpu.sort %parallel_loop3A_366, %parallel_loop3A_366 masked %parallel_loop3A_382 {descending = true} : (vector<16xf32>, vector<16xf32>, vector<16xi1>) -> (vector<16xi1>, vector<16xf32>, vector<16xf32>)
      %parallel_loop3A_386 = arith.constant dense<true> : vector<16xi1>
      %parallel_loop3A_387, %parallel_loop3A_388, %parallel_loop3A_389 = tpu.sort %parallel_loop3A_371, %parallel_loop3A_371 masked %parallel_loop3A_386 : (vector<16xf32>, vector<16xf32>, vector<16xi1>) -> (vector<16xi1>, vector<16xf32>, vector<16xf32>)
      %parallel_loop3A_390 = arith.maximumf %parallel_loop3A_384, %parallel_loop3A_388 : vector<16xf32>
      %parallel_loop3A_391 = arith.constant dense<true> : vector<16xi1>
      %parallel_loop3A_392, %parallel_loop3A_393, %parallel_loop3A_394 = tpu.sort %parallel_loop3A_376, %parallel_loop3A_376 masked %parallel_loop3A_391 {descending = true} : (vector<16xf32>, vector<16xf32>, vector<16xi1>) -> (vector<16xi1>, vector<16xf32>, vector<16xf32>)
      %parallel_loop3A_395 = arith.constant dense<true> : vector<16xi1>
      %parallel_loop3A_396, %parallel_loop3A_397, %parallel_loop3A_398 = tpu.sort %parallel_loop3A_381, %parallel_loop3A_381 masked %parallel_loop3A_395 : (vector<16xf32>, vector<16xf32>, vector<16xi1>) -> (vector<16xi1>, vector<16xf32>, vector<16xf32>)
      %parallel_loop3A_399 = arith.maximumf %parallel_loop3A_393, %parallel_loop3A_397 : vector<16xf32>
      %parallel_loop3A_400 = arith.constant dense<true> : vector<16xi1>
      %parallel_loop3A_401, %parallel_loop3A_402, %parallel_loop3A_403 = tpu.sort %parallel_loop3A_390, %parallel_loop3A_390 masked %parallel_loop3A_400 {descending = true} : (vector<16xf32>, vector<16xf32>, vector<16xi1>) -> (vector<16xi1>, vector<16xf32>, vector<16xf32>)
      %parallel_loop3A_404 = arith.constant dense<true> : vector<16xi1>
      %parallel_loop3A_405, %parallel_loop3A_406, %parallel_loop3A_407 = tpu.sort %parallel_loop3A_399, %parallel_loop3A_399 masked %parallel_loop3A_404 : (vector<16xf32>, vector<16xf32>, vector<16xi1>) -> (vector<16xi1>, vector<16xf32>, vector<16xf32>)
      %parallel_loop3A_408 = arith.maximumf %parallel_loop3A_402, %parallel_loop3A_406 : vector<16xf32>
      %parallel_loop3A_409 = arith.constant dense<true> : vector<16xi1>
      %parallel_loop3A_410, %parallel_loop3A_411, %parallel_loop3A_412 = tpu.sort %parallel_loop3A_408, %parallel_loop3A_408 masked %parallel_loop3A_409 {descending = true} : (vector<16xf32>, vector<16xf32>, vector<16xi1>) -> (vector<16xi1>, vector<16xf32>, vector<16xf32>)
      %parallel_loop3A_413 = arith.constant 7 : i32
      %parallel_loop3A_414 = vector.broadcast %parallel_loop3A_413 : i32 to vector<16xi32>
      %parallel_loop3A_415 = arith.constant 0 : i32
      %parallel_loop3A_416 = vector.broadcast %parallel_loop3A_415 : i32 to vector<16xi32>
      %parallel_loop3A_417 = arith.cmpi slt, %parallel_loop3A_414, %parallel_loop3A_416 : vector<16xi32>
      %parallel_loop3A_418 = arith.constant 16 : i32
      %parallel_loop3A_419 = vector.broadcast %parallel_loop3A_418 : i32 to vector<16xi32>
      %parallel_loop3A_420 = arith.addi %parallel_loop3A_414, %parallel_loop3A_419 : vector<16xi32>
      %parallel_loop3A_421 = arith.select %parallel_loop3A_417, %parallel_loop3A_420, %parallel_loop3A_414 : vector<16xi1>, vector<16xi32>
      %parallel_loop3A_422 = vector.shape_cast %parallel_loop3A_421 : vector<16xi32> to vector<16x1xi32>
      %parallel_loop3A_423 = vector.shape_cast %parallel_loop3A_422 : vector<16x1xi32> to vector<16xi32>
      %parallel_loop3A_424 = tpu.dynamic_gather %parallel_loop3A_411[%parallel_loop3A_423] in [0] : vector<16xf32>, vector<16xi32> -> vector<16xf32>
      %parallel_loop3A_425 = arith.cmpf oge, %parallel_loop3A_366, %parallel_loop3A_424 : vector<16xf32>
      %parallel_loop3A_426 = arith.constant 1.000000e+00 : f32
      %parallel_loop3A_427 = arith.constant 0.000000e+00 : f32
      %parallel_loop3A_428 = vector.broadcast %parallel_loop3A_426 : f32 to vector<16xf32>
      %parallel_loop3A_429 = vector.broadcast %parallel_loop3A_427 : f32 to vector<16xf32>
      %parallel_loop3A_430 = arith.select %parallel_loop3A_425, %parallel_loop3A_428, %parallel_loop3A_429 : vector<16xi1>, vector<16xf32>
      %parallel_loop3A_431 = arith.constant 0 : i32
      %parallel_loop3A_432 = arith.index_cast %parallel_loop3A_431 : i32 to index
      %parallel_loop3A_433 = arith.index_cast %parallel_loop3A_230 : i32 to index
      %parallel_loop3A_434 = arith.constant 64 : index
      %parallel_loop3A_435 = tpu.vector_load %arg6[%parallel_loop3A_432, %parallel_loop3A_433, %parallel_loop3A_434] {strides = array<i32>} : memref<2x128x128xf32, #tpu.memory_space<vmem>>, vector<16xf32>,
      tpu.vector_store %arg6[%parallel_loop3A_432, %parallel_loop3A_433, %parallel_loop3A_434], %parallel_loop3A_430 {strides = array<i32>} : memref<2x128x128xf32, #tpu.memory_space<vmem>>, vector<16xf32>,
      %parallel_loop3A_436 = arith.mulf %parallel_loop3A_366, %parallel_loop3A_430 : vector<16xf32>
      %parallel_loop3A_437 = arith.constant 0 : i32
      %parallel_loop3A_438 = arith.index_cast %parallel_loop3A_437 : i32 to index
      %parallel_loop3A_439 = arith.index_cast %parallel_loop3A_230 : i32 to index
      %parallel_loop3A_440 = arith.constant 64 : index
      %parallel_loop3A_441 = tpu.vector_load %arg7[%parallel_loop3A_438, %parallel_loop3A_439, %parallel_loop3A_440] {strides = array<i32>} : memref<2x128x128xf32, #tpu.memory_space<vmem>>, vector<16xf32>,
      tpu.vector_store %arg7[%parallel_loop3A_438, %parallel_loop3A_439, %parallel_loop3A_440], %parallel_loop3A_436 {strides = array<i32>} : memref<2x128x128xf32, #tpu.memory_space<vmem>>, vector<16xf32>,
      %parallel_loop3A_442 = arith.cmpf oge, %parallel_loop3A_371, %parallel_loop3A_424 : vector<16xf32>
      %parallel_loop3A_443 = arith.constant 1.000000e+00 : f32
      %parallel_loop3A_444 = arith.constant 0.000000e+00 : f32
      %parallel_loop3A_445 = vector.broadcast %parallel_loop3A_443 : f32 to vector<16xf32>
      %parallel_loop3A_446 = vector.broadcast %parallel_loop3A_444 : f32 to vector<16xf32>
      %parallel_loop3A_447 = arith.select %parallel_loop3A_442, %parallel_loop3A_445, %parallel_loop3A_446 : vector<16xi1>, vector<16xf32>
      %parallel_loop3A_448 = arith.constant 0 : i32
      %parallel_loop3A_449 = arith.index_cast %parallel_loop3A_448 : i32 to index
      %parallel_loop3A_450 = arith.index_cast %parallel_loop3A_230 : i32 to index
      %parallel_loop3A_451 = arith.constant 80 : index
      %parallel_loop3A_452 = tpu.vector_load %arg6[%parallel_loop3A_449, %parallel_loop3A_450, %parallel_loop3A_451] {strides = array<i32>} : memref<2x128x128xf32, #tpu.memory_space<vmem>>, vector<16xf32>,
      tpu.vector_store %arg6[%parallel_loop3A_449, %parallel_loop3A_450, %parallel_loop3A_451], %parallel_loop3A_447 {strides = array<i32>} : memref<2x128x128xf32, #tpu.memory_space<vmem>>, vector<16xf32>,
      %parallel_loop3A_453 = arith.mulf %parallel_loop3A_371, %parallel_loop3A_447 : vector<16xf32>
      %parallel_loop3A_454 = arith.constant 0 : i32
      %parallel_loop3A_455 = arith.index_cast %parallel_loop3A_454 : i32 to index
      %parallel_loop3A_456 = arith.index_cast %parallel_loop3A_230 : i32 to index
      %parallel_loop3A_457 = arith.constant 80 : index
      %parallel_loop3A_458 = tpu.vector_load %arg7[%parallel_loop3A_455, %parallel_loop3A_456, %parallel_loop3A_457] {strides = array<i32>} : memref<2x128x128xf32, #tpu.memory_space<vmem>>, vector<16xf32>,
      tpu.vector_store %arg7[%parallel_loop3A_455, %parallel_loop3A_456, %parallel_loop3A_457], %parallel_loop3A_453 {strides = array<i32>} : memref<2x128x128xf32, #tpu.memory_space<vmem>>, vector<16xf32>,
      %parallel_loop3A_459 = arith.cmpf oge, %parallel_loop3A_376, %parallel_loop3A_424 : vector<16xf32>
      %parallel_loop3A_460 = arith.constant 1.000000e+00 : f32
      %parallel_loop3A_461 = arith.constant 0.000000e+00 : f32
      %parallel_loop3A_462 = vector.broadcast %parallel_loop3A_460 : f32 to vector<16xf32>
      %parallel_loop3A_463 = vector.broadcast %parallel_loop3A_461 : f32 to vector<16xf32>
      %parallel_loop3A_464 = arith.select %parallel_loop3A_459, %parallel_loop3A_462, %parallel_loop3A_463 : vector<16xi1>, vector<16xf32>
      %parallel_loop3A_465 = arith.constant 0 : i32
      %parallel_loop3A_466 = arith.index_cast %parallel_loop3A_465 : i32 to index
      %parallel_loop3A_467 = arith.index_cast %parallel_loop3A_230 : i32 to index
      %parallel_loop3A_468 = arith.constant 96 : index
      %parallel_loop3A_469 = tpu.vector_load %arg6[%parallel_loop3A_466, %parallel_loop3A_467, %parallel_loop3A_468] {strides = array<i32>} : memref<2x128x128xf32, #tpu.memory_space<vmem>>, vector<16xf32>,
      tpu.vector_store %arg6[%parallel_loop3A_466, %parallel_loop3A_467, %parallel_loop3A_468], %parallel_loop3A_464 {strides = array<i32>} : memref<2x128x128xf32, #tpu.memory_space<vmem>>, vector<16xf32>,
      %parallel_loop3A_470 = arith.mulf %parallel_loop3A_376, %parallel_loop3A_464 : vector<16xf32>
      %parallel_loop3A_471 = arith.constant 0 : i32
      %parallel_loop3A_472 = arith.index_cast %parallel_loop3A_471 : i32 to index
      %parallel_loop3A_473 = arith.index_cast %parallel_loop3A_230 : i32 to index
      %parallel_loop3A_474 = arith.constant 96 : index
      %parallel_loop3A_475 = tpu.vector_load %arg7[%parallel_loop3A_472, %parallel_loop3A_473, %parallel_loop3A_474] {strides = array<i32>} : memref<2x128x128xf32, #tpu.memory_space<vmem>>, vector<16xf32>,
      tpu.vector_store %arg7[%parallel_loop3A_472, %parallel_loop3A_473, %parallel_loop3A_474], %parallel_loop3A_470 {strides = array<i32>} : memref<2x128x128xf32, #tpu.memory_space<vmem>>, vector<16xf32>,
      %parallel_loop3A_476 = arith.cmpf oge, %parallel_loop3A_381, %parallel_loop3A_424 : vector<16xf32>
      %parallel_loop3A_477 = arith.constant 1.000000e+00 : f32
      %parallel_loop3A_478 = arith.constant 0.000000e+00 : f32
      %parallel_loop3A_479 = vector.broadcast %parallel_loop3A_477 : f32 to vector<16xf32>
      %parallel_loop3A_480 = vector.broadcast %parallel_loop3A_478 : f32 to vector<16xf32>
      %parallel_loop3A_481 = arith.select %parallel_loop3A_476, %parallel_loop3A_479, %parallel_loop3A_480 : vector<16xi1>, vector<16xf32>
      %parallel_loop3A_482 = arith.constant 0 : i32
      %parallel_loop3A_483 = arith.index_cast %parallel_loop3A_482 : i32 to index
      %parallel_loop3A_484 = arith.index_cast %parallel_loop3A_230 : i32 to index
      %parallel_loop3A_485 = arith.constant 112 : index
      %parallel_loop3A_486 = tpu.vector_load %arg6[%parallel_loop3A_483, %parallel_loop3A_484, %parallel_loop3A_485] {strides = array<i32>} : memref<2x128x128xf32, #tpu.memory_space<vmem>>, vector<16xf32>,
      tpu.vector_store %arg6[%parallel_loop3A_483, %parallel_loop3A_484, %parallel_loop3A_485], %parallel_loop3A_481 {strides = array<i32>} : memref<2x128x128xf32, #tpu.memory_space<vmem>>, vector<16xf32>,
      %parallel_loop3A_487 = arith.mulf %parallel_loop3A_381, %parallel_loop3A_481 : vector<16xf32>
      %parallel_loop3A_488 = arith.constant 0 : i32
      %parallel_loop3A_489 = arith.index_cast %parallel_loop3A_488 : i32 to index
      %parallel_loop3A_490 = arith.index_cast %parallel_loop3A_230 : i32 to index
      %parallel_loop3A_491 = arith.constant 112 : index
      %parallel_loop3A_492 = tpu.vector_load %arg7[%parallel_loop3A_489, %parallel_loop3A_490, %parallel_loop3A_491] {strides = array<i32>} : memref<2x128x128xf32, #tpu.memory_space<vmem>>, vector<16xf32>,
      tpu.vector_store %arg7[%parallel_loop3A_489, %parallel_loop3A_490, %parallel_loop3A_491], %parallel_loop3A_487 {strides = array<i32>} : memref<2x128x128xf32, #tpu.memory_space<vmem>>, vector<16xf32>,
    } {sc.loop_unroll_factor = 2 : i64, sc.parallel_access}
    %add3A_57 = arith.constant 0 : i32
    %add3A_58 = arith.addi %mul3A_2, %add3A_57 : i32
    %add3A_59 = arith.constant 0 : i32
    %add3A_60 = arith.addi %mul3A_2, %add3A_59 : i32
    %dma_start3A_61 = arith.constant 0 : i32
    %dma_start3A_62 = arith.constant 0 : i32
    %dma_start3A_63 = arith.constant 0 : i32
    %dma_start3A_64 = arith.constant 0 : i32
    %dma_start3A_65 = arith.constant 0 : i32
    %dma_start3A_66 = tpu.memref_slice %arg6[%dma_start3A_61, %dma_start3A_64, %dma_start3A_65] : memref<2x128x128xf32, #tpu.memory_space<vmem>> -> memref<1x128x128xf32, #tpu.memory_space<vmem>>
    %dma_start3A_67 = tpu.memref_squeeze %dma_start3A_66 : memref<1x128x128xf32, #tpu.memory_space<vmem>> -> memref<128x128xf32, #tpu.memory_space<vmem>>
    %dma_start3A_68 = arith.constant 0 : i32
    %dma_start3A_69 = tpu.memref_slice %arg3[%add3A_58, %dma_start3A_68] : memref<8192x128xf32, #tpu.memory_space<hbm>> -> memref<128x128xf32, #tpu.memory_space<hbm>>
    %dma_start3A_70 = tpu.memref_slice %arg9[%dma_start3A_62, %dma_start3A_63] : memref<2x2x!tpu.dma_semaphore, #tpu.memory_space<semaphore_mem>> -> memref<1x1x!tpu.dma_semaphore, #tpu.memory_space<semaphore_mem>>
    %dma_start3A_71 = tpu.memref_squeeze %dma_start3A_70 : memref<1x1x!tpu.dma_semaphore, #tpu.memory_space<semaphore_mem>> -> memref<!tpu.dma_semaphore, #tpu.memory_space<semaphore_mem>>
    %dma_start3A_72 = arith.constant 0 : i32
    %dma_start3A_73 = tpu.memref_slice %arg3[%add3A_58, %dma_start3A_72] : memref<8192x128xf32, #tpu.memory_space<hbm>> -> memref<128x128xf32, #tpu.memory_space<hbm>>
    %dma_start3A_74 = arith.constant 0 : i32
    %dma_start3A_75 = arith.constant 0 : i32
    %dma_start3A_76 = tpu.memref_slice %arg6[%dma_start3A_61, %dma_start3A_74, %dma_start3A_75] : memref<2x128x128xf32, #tpu.memory_space<vmem>> -> memref<1x128x128xf32, #tpu.memory_space<vmem>>
    %dma_start3A_77 = tpu.memref_squeeze %dma_start3A_76 : memref<1x128x128xf32, #tpu.memory_space<vmem>> -> memref<128x128xf32, #tpu.memory_space<vmem>>
    tpu.enqueue_dma source(%dma_start3A_77 : memref<128x128xf32, #tpu.memory_space<vmem>>) target(%dma_start3A_73 : memref<128x128xf32, #tpu.memory_space<hbm>>) target_semaphore(%dma_start3A_71 : memref<!tpu.dma_semaphore, #tpu.memory_space<semaphore_mem>>)
    %dma_start3A_78 = arith.constant 0 : i32
    %dma_start3A_79 = arith.constant 1 : i32
    %dma_start3A_80 = arith.constant 0 : i32
    %dma_start3A_81 = arith.constant 0 : i32
    %dma_start3A_82 = arith.constant 0 : i32
    %dma_start3A_83 = tpu.memref_slice %arg7[%dma_start3A_78, %dma_start3A_81, %dma_start3A_82] : memref<2x128x128xf32, #tpu.memory_space<vmem>> -> memref<1x128x128xf32, #tpu.memory_space<vmem>>
    %dma_start3A_84 = tpu.memref_squeeze %dma_start3A_83 : memref<1x128x128xf32, #tpu.memory_space<vmem>> -> memref<128x128xf32, #tpu.memory_space<vmem>>
    %dma_start3A_85 = arith.constant 0 : i32
    %dma_start3A_86 = tpu.memref_slice %arg4[%add3A_60, %dma_start3A_85] : memref<8192x128xf32, #tpu.memory_space<hbm>> -> memref<128x128xf32, #tpu.memory_space<hbm>>
    %dma_start3A_87 = tpu.memref_slice %arg9[%dma_start3A_79, %dma_start3A_80] : memref<2x2x!tpu.dma_semaphore, #tpu.memory_space<semaphore_mem>> -> memref<1x1x!tpu.dma_semaphore, #tpu.memory_space<semaphore_mem>>
    %dma_start3A_88 = tpu.memref_squeeze %dma_start3A_87 : memref<1x1x!tpu.dma_semaphore, #tpu.memory_space<semaphore_mem>> -> memref<!tpu.dma_semaphore, #tpu.memory_space<semaphore_mem>>
    %dma_start3A_89 = arith.constant 0 : i32
    %dma_start3A_90 = tpu.memref_slice %arg4[%add3A_60, %dma_start3A_89] : memref<8192x128xf32, #tpu.memory_space<hbm>> -> memref<128x128xf32, #tpu.memory_space<hbm>>
    %dma_start3A_91 = arith.constant 0 : i32
    %dma_start3A_92 = arith.constant 0 : i32
    %dma_start3A_93 = tpu.memref_slice %arg7[%dma_start3A_78, %dma_start3A_91, %dma_start3A_92] : memref<2x128x128xf32, #tpu.memory_space<vmem>> -> memref<1x128x128xf32, #tpu.memory_space<vmem>>
    %dma_start3A_94 = tpu.memref_squeeze %dma_start3A_93 : memref<1x128x128xf32, #tpu.memory_space<vmem>> -> memref<128x128xf32, #tpu.memory_space<vmem>>
    tpu.enqueue_dma source(%dma_start3A_94 : memref<128x128xf32, #tpu.memory_space<vmem>>) target(%dma_start3A_90 : memref<128x128xf32, #tpu.memory_space<hbm>>) target_semaphore(%dma_start3A_88 : memref<!tpu.dma_semaphore, #tpu.memory_space<semaphore_mem>>)
    %add3A_95 = arith.constant 128 : i32
    %add3A_96 = arith.addi %mul3A_2, %add3A_95 : i32
    %dma_wait3A_97 = arith.constant 1 : i32
    %dma_wait3A_98 = arith.constant 1 : i32
    %dma_wait3A_99 = arith.constant 0 : i32
    %dma_wait3A_100 = arith.constant 0 : i32
    %dma_wait3A_101 = tpu.memref_slice %arg5[%dma_wait3A_97, %dma_wait3A_99, %dma_wait3A_100] : memref<2x128x128xf32, #tpu.memory_space<vmem>> -> memref<1x128x128xf32, #tpu.memory_space<vmem>>
    %dma_wait3A_102 = tpu.memref_squeeze %dma_wait3A_101 : memref<1x128x128xf32, #tpu.memory_space<vmem>> -> memref<128x128xf32, #tpu.memory_space<vmem>>
    %dma_wait3A_103 = arith.constant 0 : i32
    %dma_wait3A_104 = tpu.memref_slice %arg2[%add3A_96, %dma_wait3A_103] : memref<8192x128xf32, #tpu.memory_space<hbm>> -> memref<128x128xf32, #tpu.memory_space<hbm>>
    %dma_wait3A_105 = tpu.memref_slice %arg8[%dma_wait3A_98] : memref<2x!tpu.dma_semaphore, #tpu.memory_space<semaphore_mem>> -> memref<1x!tpu.dma_semaphore, #tpu.memory_space<semaphore_mem>>
    %dma_wait3A_106 = tpu.memref_squeeze %dma_wait3A_105 : memref<1x!tpu.dma_semaphore, #tpu.memory_space<semaphore_mem>> -> memref<!tpu.dma_semaphore, #tpu.memory_space<semaphore_mem>>
    %dma_wait3A_107 = arith.constant 0 : i32
    %dma_wait3A_108 = arith.constant 0 : i32
    %dma_wait3A_109 = tpu.memref_slice %arg5[%dma_wait3A_97, %dma_wait3A_107, %dma_wait3A_108] : memref<2x128x128xf32, #tpu.memory_space<vmem>> -> memref<1x128x128xf32, #tpu.memory_space<vmem>>
    %dma_wait3A_110 = tpu.memref_squeeze %dma_wait3A_109 : memref<1x128x128xf32, #tpu.memory_space<vmem>> -> memref<128x128xf32, #tpu.memory_space<vmem>>
    %dma_wait3A_111 = arith.constant 0 : i32
    %dma_wait3A_112 = tpu.memref_slice %arg2[%add3A_96, %dma_wait3A_111] : memref<8192x128xf32, #tpu.memory_space<hbm>> -> memref<128x128xf32, #tpu.memory_space<hbm>>
    tpu.wait_dma2 semaphore(%dma_wait3A_106 : memref<!tpu.dma_semaphore, #tpu.memory_space<semaphore_mem>>) src(%dma_wait3A_112 : memref<128x128xf32, #tpu.memory_space<hbm>>) dst(%dma_wait3A_110 : memref<128x128xf32, #tpu.memory_space<vmem>>)
    %parallel_loop3A_113 = arith.constant 0 : i32
    %parallel_loop3A_114 = arith.constant 128 : i32
    %parallel_loop3A_115 = arith.constant 1 : i32
    scf.for %parallel_loop3A_230 = %parallel_loop3A_113 to %parallel_loop3A_114 step %parallel_loop3A_115  : i32 {
      %parallel_loop3A_231 = arith.constant 1 : i32
      %parallel_loop3A_232 = arith.index_cast %parallel_loop3A_231 : i32 to index
      %parallel_loop3A_233 = arith.index_cast %parallel_loop3A_230 : i32 to index
      %parallel_loop3A_234 = arith.constant 0 : index
      %parallel_loop3A_235 = tpu.vector_load %arg5[%parallel_loop3A_232, %parallel_loop3A_233, %parallel_loop3A_234] {strides = array<i32>} : memref<2x128x128xf32, #tpu.memory_space<vmem>>, vector<16xf32>,
      %parallel_loop3A_236 = arith.constant 1 : i32
      %parallel_loop3A_237 = arith.index_cast %parallel_loop3A_236 : i32 to index
      %parallel_loop3A_238 = arith.index_cast %parallel_loop3A_230 : i32 to index
      %parallel_loop3A_239 = arith.constant 16 : index
      %parallel_loop3A_240 = tpu.vector_load %arg5[%parallel_loop3A_237, %parallel_loop3A_238, %parallel_loop3A_239] {strides = array<i32>} : memref<2x128x128xf32, #tpu.memory_space<vmem>>, vector<16xf32>,
      %parallel_loop3A_241 = arith.constant 1 : i32
      %parallel_loop3A_242 = arith.index_cast %parallel_loop3A_241 : i32 to index
      %parallel_loop3A_243 = arith.index_cast %parallel_loop3A_230 : i32 to index
      %parallel_loop3A_244 = arith.constant 32 : index
      %parallel_loop3A_245 = tpu.vector_load %arg5[%parallel_loop3A_242, %parallel_loop3A_243, %parallel_loop3A_244] {strides = array<i32>} : memref<2x128x128xf32, #tpu.memory_space<vmem>>, vector<16xf32>,
      %parallel_loop3A_246 = arith.constant 1 : i32
      %parallel_loop3A_247 = arith.index_cast %parallel_loop3A_246 : i32 to index
      %parallel_loop3A_248 = arith.index_cast %parallel_loop3A_230 : i32 to index
      %parallel_loop3A_249 = arith.constant 48 : index
      %parallel_loop3A_250 = tpu.vector_load %arg5[%parallel_loop3A_247, %parallel_loop3A_248, %parallel_loop3A_249] {strides = array<i32>} : memref<2x128x128xf32, #tpu.memory_space<vmem>>, vector<16xf32>,
      %parallel_loop3A_251 = arith.constant dense<true> : vector<16xi1>
      %parallel_loop3A_252, %parallel_loop3A_253, %parallel_loop3A_254 = tpu.sort %parallel_loop3A_235, %parallel_loop3A_235 masked %parallel_loop3A_251 {descending = true} : (vector<16xf32>, vector<16xf32>, vector<16xi1>) -> (vector<16xi1>, vector<16xf32>, vector<16xf32>)
      %parallel_loop3A_255 = arith.constant dense<true> : vector<16xi1>
      %parallel_loop3A_256, %parallel_loop3A_257, %parallel_loop3A_258 = tpu.sort %parallel_loop3A_240, %parallel_loop3A_240 masked %parallel_loop3A_255 : (vector<16xf32>, vector<16xf32>, vector<16xi1>) -> (vector<16xi1>, vector<16xf32>, vector<16xf32>)
      %parallel_loop3A_259 = arith.maximumf %parallel_loop3A_253, %parallel_loop3A_257 : vector<16xf32>
      %parallel_loop3A_260 = arith.constant dense<true> : vector<16xi1>
      %parallel_loop3A_261, %parallel_loop3A_262, %parallel_loop3A_263 = tpu.sort %parallel_loop3A_245, %parallel_loop3A_245 masked %parallel_loop3A_260 {descending = true} : (vector<16xf32>, vector<16xf32>, vector<16xi1>) -> (vector<16xi1>, vector<16xf32>, vector<16xf32>)
      %parallel_loop3A_264 = arith.constant dense<true> : vector<16xi1>
      %parallel_loop3A_265, %parallel_loop3A_266, %parallel_loop3A_267 = tpu.sort %parallel_loop3A_250, %parallel_loop3A_250 masked %parallel_loop3A_264 : (vector<16xf32>, vector<16xf32>, vector<16xi1>) -> (vector<16xi1>, vector<16xf32>, vector<16xf32>)
      %parallel_loop3A_268 = arith.maximumf %parallel_loop3A_262, %parallel_loop3A_266 : vector<16xf32>
      %parallel_loop3A_269 = arith.constant dense<true> : vector<16xi1>
      %parallel_loop3A_270, %parallel_loop3A_271, %parallel_loop3A_272 = tpu.sort %parallel_loop3A_259, %parallel_loop3A_259 masked %parallel_loop3A_269 {descending = true} : (vector<16xf32>, vector<16xf32>, vector<16xi1>) -> (vector<16xi1>, vector<16xf32>, vector<16xf32>)
      %parallel_loop3A_273 = arith.constant dense<true> : vector<16xi1>
      %parallel_loop3A_274, %parallel_loop3A_275, %parallel_loop3A_276 = tpu.sort %parallel_loop3A_268, %parallel_loop3A_268 masked %parallel_loop3A_273 : (vector<16xf32>, vector<16xf32>, vector<16xi1>) -> (vector<16xi1>, vector<16xf32>, vector<16xf32>)
      %parallel_loop3A_277 = arith.maximumf %parallel_loop3A_271, %parallel_loop3A_275 : vector<16xf32>
      %parallel_loop3A_278 = arith.constant dense<true> : vector<16xi1>
      %parallel_loop3A_279, %parallel_loop3A_280, %parallel_loop3A_281 = tpu.sort %parallel_loop3A_277, %parallel_loop3A_277 masked %parallel_loop3A_278 {descending = true} : (vector<16xf32>, vector<16xf32>, vector<16xi1>) -> (vector<16xi1>, vector<16xf32>, vector<16xf32>)
      %parallel_loop3A_282 = arith.constant 7 : i32
      %parallel_loop3A_283 = vector.broadcast %parallel_loop3A_282 : i32 to vector<16xi32>
      %parallel_loop3A_284 = arith.constant 0 : i32
      %parallel_loop3A_285 = vector.broadcast %parallel_loop3A_284 : i32 to vector<16xi32>
      %parallel_loop3A_286 = arith.cmpi slt, %parallel_loop3A_283, %parallel_loop3A_285 : vector<16xi32>
      %parallel_loop3A_287 = arith.constant 16 : i32
      %parallel_loop3A_288 = vector.broadcast %parallel_loop3A_287 : i32 to vector<16xi32>
      %parallel_loop3A_289 = arith.addi %parallel_loop3A_283, %parallel_loop3A_288 : vector<16xi32>
      %parallel_loop3A_290 = arith.select %parallel_loop3A_286, %parallel_loop3A_289, %parallel_loop3A_283 : vector<16xi1>, vector<16xi32>
      %parallel_loop3A_291 = vector.shape_cast %parallel_loop3A_290 : vector<16xi32> to vector<16x1xi32>
      %parallel_loop3A_292 = vector.shape_cast %parallel_loop3A_291 : vector<16x1xi32> to vector<16xi32>
      %parallel_loop3A_293 = tpu.dynamic_gather %parallel_loop3A_280[%parallel_loop3A_292] in [0] : vector<16xf32>, vector<16xi32> -> vector<16xf32>
      %parallel_loop3A_294 = arith.cmpf oge, %parallel_loop3A_235, %parallel_loop3A_293 : vector<16xf32>
      %parallel_loop3A_295 = arith.constant 1.000000e+00 : f32
      %parallel_loop3A_296 = arith.constant 0.000000e+00 : f32
      %parallel_loop3A_297 = vector.broadcast %parallel_loop3A_295 : f32 to vector<16xf32>
      %parallel_loop3A_298 = vector.broadcast %parallel_loop3A_296 : f32 to vector<16xf32>
      %parallel_loop3A_299 = arith.select %parallel_loop3A_294, %parallel_loop3A_297, %parallel_loop3A_298 : vector<16xi1>, vector<16xf32>
      %parallel_loop3A_300 = arith.constant 1 : i32
      %parallel_loop3A_301 = arith.index_cast %parallel_loop3A_300 : i32 to index
      %parallel_loop3A_302 = arith.index_cast %parallel_loop3A_230 : i32 to index
      %parallel_loop3A_303 = arith.constant 0 : index
      %parallel_loop3A_304 = tpu.vector_load %arg6[%parallel_loop3A_301, %parallel_loop3A_302, %parallel_loop3A_303] {strides = array<i32>} : memref<2x128x128xf32, #tpu.memory_space<vmem>>, vector<16xf32>,
      tpu.vector_store %arg6[%parallel_loop3A_301, %parallel_loop3A_302, %parallel_loop3A_303], %parallel_loop3A_299 {strides = array<i32>} : memref<2x128x128xf32, #tpu.memory_space<vmem>>, vector<16xf32>,
      %parallel_loop3A_305 = arith.mulf %parallel_loop3A_235, %parallel_loop3A_299 : vector<16xf32>
      %parallel_loop3A_306 = arith.constant 1 : i32
      %parallel_loop3A_307 = arith.index_cast %parallel_loop3A_306 : i32 to index
      %parallel_loop3A_308 = arith.index_cast %parallel_loop3A_230 : i32 to index
      %parallel_loop3A_309 = arith.constant 0 : index
      %parallel_loop3A_310 = tpu.vector_load %arg7[%parallel_loop3A_307, %parallel_loop3A_308, %parallel_loop3A_309] {strides = array<i32>} : memref<2x128x128xf32, #tpu.memory_space<vmem>>, vector<16xf32>,
      tpu.vector_store %arg7[%parallel_loop3A_307, %parallel_loop3A_308, %parallel_loop3A_309], %parallel_loop3A_305 {strides = array<i32>} : memref<2x128x128xf32, #tpu.memory_space<vmem>>, vector<16xf32>,
      %parallel_loop3A_311 = arith.cmpf oge, %parallel_loop3A_240, %parallel_loop3A_293 : vector<16xf32>
      %parallel_loop3A_312 = arith.constant 1.000000e+00 : f32
      %parallel_loop3A_313 = arith.constant 0.000000e+00 : f32
      %parallel_loop3A_314 = vector.broadcast %parallel_loop3A_312 : f32 to vector<16xf32>
      %parallel_loop3A_315 = vector.broadcast %parallel_loop3A_313 : f32 to vector<16xf32>
      %parallel_loop3A_316 = arith.select %parallel_loop3A_311, %parallel_loop3A_314, %parallel_loop3A_315 : vector<16xi1>, vector<16xf32>
      %parallel_loop3A_317 = arith.constant 1 : i32
      %parallel_loop3A_318 = arith.index_cast %parallel_loop3A_317 : i32 to index
      %parallel_loop3A_319 = arith.index_cast %parallel_loop3A_230 : i32 to index
      %parallel_loop3A_320 = arith.constant 16 : index
      %parallel_loop3A_321 = tpu.vector_load %arg6[%parallel_loop3A_318, %parallel_loop3A_319, %parallel_loop3A_320] {strides = array<i32>} : memref<2x128x128xf32, #tpu.memory_space<vmem>>, vector<16xf32>,
      tpu.vector_store %arg6[%parallel_loop3A_318, %parallel_loop3A_319, %parallel_loop3A_320], %parallel_loop3A_316 {strides = array<i32>} : memref<2x128x128xf32, #tpu.memory_space<vmem>>, vector<16xf32>,
      %parallel_loop3A_322 = arith.mulf %parallel_loop3A_240, %parallel_loop3A_316 : vector<16xf32>
      %parallel_loop3A_323 = arith.constant 1 : i32
      %parallel_loop3A_324 = arith.index_cast %parallel_loop3A_323 : i32 to index
      %parallel_loop3A_325 = arith.index_cast %parallel_loop3A_230 : i32 to index
      %parallel_loop3A_326 = arith.constant 16 : index
      %parallel_loop3A_327 = tpu.vector_load %arg7[%parallel_loop3A_324, %parallel_loop3A_325, %parallel_loop3A_326] {strides = array<i32>} : memref<2x128x128xf32, #tpu.memory_space<vmem>>, vector<16xf32>,
      tpu.vector_store %arg7[%parallel_loop3A_324, %parallel_loop3A_325, %parallel_loop3A_326], %parallel_loop3A_322 {strides = array<i32>} : memref<2x128x128xf32, #tpu.memory_space<vmem>>, vector<16xf32>,
      %parallel_loop3A_328 = arith.cmpf oge, %parallel_loop3A_245, %parallel_loop3A_293 : vector<16xf32>
      %parallel_loop3A_329 = arith.constant 1.000000e+00 : f32
      %parallel_loop3A_330 = arith.constant 0.000000e+00 : f32
      %parallel_loop3A_331 = vector.broadcast %parallel_loop3A_329 : f32 to vector<16xf32>
      %parallel_loop3A_332 = vector.broadcast %parallel_loop3A_330 : f32 to vector<16xf32>
      %parallel_loop3A_333 = arith.select %parallel_loop3A_328, %parallel_loop3A_331, %parallel_loop3A_332 : vector<16xi1>, vector<16xf32>
      %parallel_loop3A_334 = arith.constant 1 : i32
      %parallel_loop3A_335 = arith.index_cast %parallel_loop3A_334 : i32 to index
      %parallel_loop3A_336 = arith.index_cast %parallel_loop3A_230 : i32 to index
      %parallel_loop3A_337 = arith.constant 32 : index
      %parallel_loop3A_338 = tpu.vector_load %arg6[%parallel_loop3A_335, %parallel_loop3A_336, %parallel_loop3A_337] {strides = array<i32>} : memref<2x128x128xf32, #tpu.memory_space<vmem>>, vector<16xf32>,
      tpu.vector_store %arg6[%parallel_loop3A_335, %parallel_loop3A_336, %parallel_loop3A_337], %parallel_loop3A_333 {strides = array<i32>} : memref<2x128x128xf32, #tpu.memory_space<vmem>>, vector<16xf32>,
      %parallel_loop3A_339 = arith.mulf %parallel_loop3A_245, %parallel_loop3A_333 : vector<16xf32>
      %parallel_loop3A_340 = arith.constant 1 : i32
      %parallel_loop3A_341 = arith.index_cast %parallel_loop3A_340 : i32 to index
      %parallel_loop3A_342 = arith.index_cast %parallel_loop3A_230 : i32 to index
      %parallel_loop3A_343 = arith.constant 32 : index
      %parallel_loop3A_344 = tpu.vector_load %arg7[%parallel_loop3A_341, %parallel_loop3A_342, %parallel_loop3A_343] {strides = array<i32>} : memref<2x128x128xf32, #tpu.memory_space<vmem>>, vector<16xf32>,
      tpu.vector_store %arg7[%parallel_loop3A_341, %parallel_loop3A_342, %parallel_loop3A_343], %parallel_loop3A_339 {strides = array<i32>} : memref<2x128x128xf32, #tpu.memory_space<vmem>>, vector<16xf32>,
      %parallel_loop3A_345 = arith.cmpf oge, %parallel_loop3A_250, %parallel_loop3A_293 : vector<16xf32>
      %parallel_loop3A_346 = arith.constant 1.000000e+00 : f32
      %parallel_loop3A_347 = arith.constant 0.000000e+00 : f32
      %parallel_loop3A_348 = vector.broadcast %parallel_loop3A_346 : f32 to vector<16xf32>
      %parallel_loop3A_349 = vector.broadcast %parallel_loop3A_347 : f32 to vector<16xf32>
      %parallel_loop3A_350 = arith.select %parallel_loop3A_345, %parallel_loop3A_348, %parallel_loop3A_349 : vector<16xi1>, vector<16xf32>
      %parallel_loop3A_351 = arith.constant 1 : i32
      %parallel_loop3A_352 = arith.index_cast %parallel_loop3A_351 : i32 to index
      %parallel_loop3A_353 = arith.index_cast %parallel_loop3A_230 : i32 to index
      %parallel_loop3A_354 = arith.constant 48 : index
      %parallel_loop3A_355 = tpu.vector_load %arg6[%parallel_loop3A_352, %parallel_loop3A_353, %parallel_loop3A_354] {strides = array<i32>} : memref<2x128x128xf32, #tpu.memory_space<vmem>>, vector<16xf32>,
      tpu.vector_store %arg6[%parallel_loop3A_352, %parallel_loop3A_353, %parallel_loop3A_354], %parallel_loop3A_350 {strides = array<i32>} : memref<2x128x128xf32, #tpu.memory_space<vmem>>, vector<16xf32>,
      %parallel_loop3A_356 = arith.mulf %parallel_loop3A_250, %parallel_loop3A_350 : vector<16xf32>
      %parallel_loop3A_357 = arith.constant 1 : i32
      %parallel_loop3A_358 = arith.index_cast %parallel_loop3A_357 : i32 to index
      %parallel_loop3A_359 = arith.index_cast %parallel_loop3A_230 : i32 to index
      %parallel_loop3A_360 = arith.constant 48 : index
      %parallel_loop3A_361 = tpu.vector_load %arg7[%parallel_loop3A_358, %parallel_loop3A_359, %parallel_loop3A_360] {strides = array<i32>} : memref<2x128x128xf32, #tpu.memory_space<vmem>>, vector<16xf32>,
      tpu.vector_store %arg7[%parallel_loop3A_358, %parallel_loop3A_359, %parallel_loop3A_360], %parallel_loop3A_356 {strides = array<i32>} : memref<2x128x128xf32, #tpu.memory_space<vmem>>, vector<16xf32>,
      %parallel_loop3A_362 = arith.constant 1 : i32
      %parallel_loop3A_363 = arith.index_cast %parallel_loop3A_362 : i32 to index
      %parallel_loop3A_364 = arith.index_cast %parallel_loop3A_230 : i32 to index
      %parallel_loop3A_365 = arith.constant 64 : index
      %parallel_loop3A_366 = tpu.vector_load %arg5[%parallel_loop3A_363, %parallel_loop3A_364, %parallel_loop3A_365] {strides = array<i32>} : memref<2x128x128xf32, #tpu.memory_space<vmem>>, vector<16xf32>,
      %parallel_loop3A_367 = arith.constant 1 : i32
      %parallel_loop3A_368 = arith.index_cast %parallel_loop3A_367 : i32 to index
      %parallel_loop3A_369 = arith.index_cast %parallel_loop3A_230 : i32 to index
      %parallel_loop3A_370 = arith.constant 80 : index
      %parallel_loop3A_371 = tpu.vector_load %arg5[%parallel_loop3A_368, %parallel_loop3A_369, %parallel_loop3A_370] {strides = array<i32>} : memref<2x128x128xf32, #tpu.memory_space<vmem>>, vector<16xf32>,
      %parallel_loop3A_372 = arith.constant 1 : i32
      %parallel_loop3A_373 = arith.index_cast %parallel_loop3A_372 : i32 to index
      %parallel_loop3A_374 = arith.index_cast %parallel_loop3A_230 : i32 to index
      %parallel_loop3A_375 = arith.constant 96 : index
      %parallel_loop3A_376 = tpu.vector_load %arg5[%parallel_loop3A_373, %parallel_loop3A_374, %parallel_loop3A_375] {strides = array<i32>} : memref<2x128x128xf32, #tpu.memory_space<vmem>>, vector<16xf32>,
      %parallel_loop3A_377 = arith.constant 1 : i32
      %parallel_loop3A_378 = arith.index_cast %parallel_loop3A_377 : i32 to index
      %parallel_loop3A_379 = arith.index_cast %parallel_loop3A_230 : i32 to index
      %parallel_loop3A_380 = arith.constant 112 : index
      %parallel_loop3A_381 = tpu.vector_load %arg5[%parallel_loop3A_378, %parallel_loop3A_379, %parallel_loop3A_380] {strides = array<i32>} : memref<2x128x128xf32, #tpu.memory_space<vmem>>, vector<16xf32>,
      %parallel_loop3A_382 = arith.constant dense<true> : vector<16xi1>
      %parallel_loop3A_383, %parallel_loop3A_384, %parallel_loop3A_385 = tpu.sort %parallel_loop3A_366, %parallel_loop3A_366 masked %parallel_loop3A_382 {descending = true} : (vector<16xf32>, vector<16xf32>, vector<16xi1>) -> (vector<16xi1>, vector<16xf32>, vector<16xf32>)
      %parallel_loop3A_386 = arith.constant dense<true> : vector<16xi1>
      %parallel_loop3A_387, %parallel_loop3A_388, %parallel_loop3A_389 = tpu.sort %parallel_loop3A_371, %parallel_loop3A_371 masked %parallel_loop3A_386 : (vector<16xf32>, vector<16xf32>, vector<16xi1>) -> (vector<16xi1>, vector<16xf32>, vector<16xf32>)
      %parallel_loop3A_390 = arith.maximumf %parallel_loop3A_384, %parallel_loop3A_388 : vector<16xf32>
      %parallel_loop3A_391 = arith.constant dense<true> : vector<16xi1>
      %parallel_loop3A_392, %parallel_loop3A_393, %parallel_loop3A_394 = tpu.sort %parallel_loop3A_376, %parallel_loop3A_376 masked %parallel_loop3A_391 {descending = true} : (vector<16xf32>, vector<16xf32>, vector<16xi1>) -> (vector<16xi1>, vector<16xf32>, vector<16xf32>)
      %parallel_loop3A_395 = arith.constant dense<true> : vector<16xi1>
      %parallel_loop3A_396, %parallel_loop3A_397, %parallel_loop3A_398 = tpu.sort %parallel_loop3A_381, %parallel_loop3A_381 masked %parallel_loop3A_395 : (vector<16xf32>, vector<16xf32>, vector<16xi1>) -> (vector<16xi1>, vector<16xf32>, vector<16xf32>)
      %parallel_loop3A_399 = arith.maximumf %parallel_loop3A_393, %parallel_loop3A_397 : vector<16xf32>
      %parallel_loop3A_400 = arith.constant dense<true> : vector<16xi1>
      %parallel_loop3A_401, %parallel_loop3A_402, %parallel_loop3A_403 = tpu.sort %parallel_loop3A_390, %parallel_loop3A_390 masked %parallel_loop3A_400 {descending = true} : (vector<16xf32>, vector<16xf32>, vector<16xi1>) -> (vector<16xi1>, vector<16xf32>, vector<16xf32>)
      %parallel_loop3A_404 = arith.constant dense<true> : vector<16xi1>
      %parallel_loop3A_405, %parallel_loop3A_406, %parallel_loop3A_407 = tpu.sort %parallel_loop3A_399, %parallel_loop3A_399 masked %parallel_loop3A_404 : (vector<16xf32>, vector<16xf32>, vector<16xi1>) -> (vector<16xi1>, vector<16xf32>, vector<16xf32>)
      %parallel_loop3A_408 = arith.maximumf %parallel_loop3A_402, %parallel_loop3A_406 : vector<16xf32>
      %parallel_loop3A_409 = arith.constant dense<true> : vector<16xi1>
      %parallel_loop3A_410, %parallel_loop3A_411, %parallel_loop3A_412 = tpu.sort %parallel_loop3A_408, %parallel_loop3A_408 masked %parallel_loop3A_409 {descending = true} : (vector<16xf32>, vector<16xf32>, vector<16xi1>) -> (vector<16xi1>, vector<16xf32>, vector<16xf32>)
      %parallel_loop3A_413 = arith.constant 7 : i32
      %parallel_loop3A_414 = vector.broadcast %parallel_loop3A_413 : i32 to vector<16xi32>
      %parallel_loop3A_415 = arith.constant 0 : i32
      %parallel_loop3A_416 = vector.broadcast %parallel_loop3A_415 : i32 to vector<16xi32>
      %parallel_loop3A_417 = arith.cmpi slt, %parallel_loop3A_414, %parallel_loop3A_416 : vector<16xi32>
      %parallel_loop3A_418 = arith.constant 16 : i32
      %parallel_loop3A_419 = vector.broadcast %parallel_loop3A_418 : i32 to vector<16xi32>
      %parallel_loop3A_420 = arith.addi %parallel_loop3A_414, %parallel_loop3A_419 : vector<16xi32>
      %parallel_loop3A_421 = arith.select %parallel_loop3A_417, %parallel_loop3A_420, %parallel_loop3A_414 : vector<16xi1>, vector<16xi32>
      %parallel_loop3A_422 = vector.shape_cast %parallel_loop3A_421 : vector<16xi32> to vector<16x1xi32>
      %parallel_loop3A_423 = vector.shape_cast %parallel_loop3A_422 : vector<16x1xi32> to vector<16xi32>
      %parallel_loop3A_424 = tpu.dynamic_gather %parallel_loop3A_411[%parallel_loop3A_423] in [0] : vector<16xf32>, vector<16xi32> -> vector<16xf32>
      %parallel_loop3A_425 = arith.cmpf oge, %parallel_loop3A_366, %parallel_loop3A_424 : vector<16xf32>
      %parallel_loop3A_426 = arith.constant 1.000000e+00 : f32
      %parallel_loop3A_427 = arith.constant 0.000000e+00 : f32
      %parallel_loop3A_428 = vector.broadcast %parallel_loop3A_426 : f32 to vector<16xf32>
      %parallel_loop3A_429 = vector.broadcast %parallel_loop3A_427 : f32 to vector<16xf32>
      %parallel_loop3A_430 = arith.select %parallel_loop3A_425, %parallel_loop3A_428, %parallel_loop3A_429 : vector<16xi1>, vector<16xf32>
      %parallel_loop3A_431 = arith.constant 1 : i32
      %parallel_loop3A_432 = arith.index_cast %parallel_loop3A_431 : i32 to index
      %parallel_loop3A_433 = arith.index_cast %parallel_loop3A_230 : i32 to index
      %parallel_loop3A_434 = arith.constant 64 : index
      %parallel_loop3A_435 = tpu.vector_load %arg6[%parallel_loop3A_432, %parallel_loop3A_433, %parallel_loop3A_434] {strides = array<i32>} : memref<2x128x128xf32, #tpu.memory_space<vmem>>, vector<16xf32>,
      tpu.vector_store %arg6[%parallel_loop3A_432, %parallel_loop3A_433, %parallel_loop3A_434], %parallel_loop3A_430 {strides = array<i32>} : memref<2x128x128xf32, #tpu.memory_space<vmem>>, vector<16xf32>,
      %parallel_loop3A_436 = arith.mulf %parallel_loop3A_366, %parallel_loop3A_430 : vector<16xf32>
      %parallel_loop3A_437 = arith.constant 1 : i32
      %parallel_loop3A_438 = arith.index_cast %parallel_loop3A_437 : i32 to index
      %parallel_loop3A_439 = arith.index_cast %parallel_loop3A_230 : i32 to index
      %parallel_loop3A_440 = arith.constant 64 : index
      %parallel_loop3A_441 = tpu.vector_load %arg7[%parallel_loop3A_438, %parallel_loop3A_439, %parallel_loop3A_440] {strides = array<i32>} : memref<2x128x128xf32, #tpu.memory_space<vmem>>, vector<16xf32>,
      tpu.vector_store %arg7[%parallel_loop3A_438, %parallel_loop3A_439, %parallel_loop3A_440], %parallel_loop3A_436 {strides = array<i32>} : memref<2x128x128xf32, #tpu.memory_space<vmem>>, vector<16xf32>,
      %parallel_loop3A_442 = arith.cmpf oge, %parallel_loop3A_371, %parallel_loop3A_424 : vector<16xf32>
      %parallel_loop3A_443 = arith.constant 1.000000e+00 : f32
      %parallel_loop3A_444 = arith.constant 0.000000e+00 : f32
      %parallel_loop3A_445 = vector.broadcast %parallel_loop3A_443 : f32 to vector<16xf32>
      %parallel_loop3A_446 = vector.broadcast %parallel_loop3A_444 : f32 to vector<16xf32>
      %parallel_loop3A_447 = arith.select %parallel_loop3A_442, %parallel_loop3A_445, %parallel_loop3A_446 : vector<16xi1>, vector<16xf32>
      %parallel_loop3A_448 = arith.constant 1 : i32
      %parallel_loop3A_449 = arith.index_cast %parallel_loop3A_448 : i32 to index
      %parallel_loop3A_450 = arith.index_cast %parallel_loop3A_230 : i32 to index
      %parallel_loop3A_451 = arith.constant 80 : index
      %parallel_loop3A_452 = tpu.vector_load %arg6[%parallel_loop3A_449, %parallel_loop3A_450, %parallel_loop3A_451] {strides = array<i32>} : memref<2x128x128xf32, #tpu.memory_space<vmem>>, vector<16xf32>,
      tpu.vector_store %arg6[%parallel_loop3A_449, %parallel_loop3A_450, %parallel_loop3A_451], %parallel_loop3A_447 {strides = array<i32>} : memref<2x128x128xf32, #tpu.memory_space<vmem>>, vector<16xf32>,
      %parallel_loop3A_453 = arith.mulf %parallel_loop3A_371, %parallel_loop3A_447 : vector<16xf32>
      %parallel_loop3A_454 = arith.constant 1 : i32
      %parallel_loop3A_455 = arith.index_cast %parallel_loop3A_454 : i32 to index
      %parallel_loop3A_456 = arith.index_cast %parallel_loop3A_230 : i32 to index
      %parallel_loop3A_457 = arith.constant 80 : index
      %parallel_loop3A_458 = tpu.vector_load %arg7[%parallel_loop3A_455, %parallel_loop3A_456, %parallel_loop3A_457] {strides = array<i32>} : memref<2x128x128xf32, #tpu.memory_space<vmem>>, vector<16xf32>,
      tpu.vector_store %arg7[%parallel_loop3A_455, %parallel_loop3A_456, %parallel_loop3A_457], %parallel_loop3A_453 {strides = array<i32>} : memref<2x128x128xf32, #tpu.memory_space<vmem>>, vector<16xf32>,
      %parallel_loop3A_459 = arith.cmpf oge, %parallel_loop3A_376, %parallel_loop3A_424 : vector<16xf32>
      %parallel_loop3A_460 = arith.constant 1.000000e+00 : f32
      %parallel_loop3A_461 = arith.constant 0.000000e+00 : f32
      %parallel_loop3A_462 = vector.broadcast %parallel_loop3A_460 : f32 to vector<16xf32>
      %parallel_loop3A_463 = vector.broadcast %parallel_loop3A_461 : f32 to vector<16xf32>
      %parallel_loop3A_464 = arith.select %parallel_loop3A_459, %parallel_loop3A_462, %parallel_loop3A_463 : vector<16xi1>, vector<16xf32>
      %parallel_loop3A_465 = arith.constant 1 : i32
      %parallel_loop3A_466 = arith.index_cast %parallel_loop3A_465 : i32 to index
      %parallel_loop3A_467 = arith.index_cast %parallel_loop3A_230 : i32 to index
      %parallel_loop3A_468 = arith.constant 96 : index
      %parallel_loop3A_469 = tpu.vector_load %arg6[%parallel_loop3A_466, %parallel_loop3A_467, %parallel_loop3A_468] {strides = array<i32>} : memref<2x128x128xf32, #tpu.memory_space<vmem>>, vector<16xf32>,
      tpu.vector_store %arg6[%parallel_loop3A_466, %parallel_loop3A_467, %parallel_loop3A_468], %parallel_loop3A_464 {strides = array<i32>} : memref<2x128x128xf32, #tpu.memory_space<vmem>>, vector<16xf32>,
      %parallel_loop3A_470 = arith.mulf %parallel_loop3A_376, %parallel_loop3A_464 : vector<16xf32>
      %parallel_loop3A_471 = arith.constant 1 : i32
      %parallel_loop3A_472 = arith.index_cast %parallel_loop3A_471 : i32 to index
      %parallel_loop3A_473 = arith.index_cast %parallel_loop3A_230 : i32 to index
      %parallel_loop3A_474 = arith.constant 96 : index
      %parallel_loop3A_475 = tpu.vector_load %arg7[%parallel_loop3A_472, %parallel_loop3A_473, %parallel_loop3A_474] {strides = array<i32>} : memref<2x128x128xf32, #tpu.memory_space<vmem>>, vector<16xf32>,
      tpu.vector_store %arg7[%parallel_loop3A_472, %parallel_loop3A_473, %parallel_loop3A_474], %parallel_loop3A_470 {strides = array<i32>} : memref<2x128x128xf32, #tpu.memory_space<vmem>>, vector<16xf32>,
      %parallel_loop3A_476 = arith.cmpf oge, %parallel_loop3A_381, %parallel_loop3A_424 : vector<16xf32>
      %parallel_loop3A_477 = arith.constant 1.000000e+00 : f32
      %parallel_loop3A_478 = arith.constant 0.000000e+00 : f32
      %parallel_loop3A_479 = vector.broadcast %parallel_loop3A_477 : f32 to vector<16xf32>
      %parallel_loop3A_480 = vector.broadcast %parallel_loop3A_478 : f32 to vector<16xf32>
      %parallel_loop3A_481 = arith.select %parallel_loop3A_476, %parallel_loop3A_479, %parallel_loop3A_480 : vector<16xi1>, vector<16xf32>
      %parallel_loop3A_482 = arith.constant 1 : i32
      %parallel_loop3A_483 = arith.index_cast %parallel_loop3A_482 : i32 to index
      %parallel_loop3A_484 = arith.index_cast %parallel_loop3A_230 : i32 to index
      %parallel_loop3A_485 = arith.constant 112 : index
      %parallel_loop3A_486 = tpu.vector_load %arg6[%parallel_loop3A_483, %parallel_loop3A_484, %parallel_loop3A_485] {strides = array<i32>} : memref<2x128x128xf32, #tpu.memory_space<vmem>>, vector<16xf32>,
      tpu.vector_store %arg6[%parallel_loop3A_483, %parallel_loop3A_484, %parallel_loop3A_485], %parallel_loop3A_481 {strides = array<i32>} : memref<2x128x128xf32, #tpu.memory_space<vmem>>, vector<16xf32>,
      %parallel_loop3A_487 = arith.mulf %parallel_loop3A_381, %parallel_loop3A_481 : vector<16xf32>
      %parallel_loop3A_488 = arith.constant 1 : i32
      %parallel_loop3A_489 = arith.index_cast %parallel_loop3A_488 : i32 to index
      %parallel_loop3A_490 = arith.index_cast %parallel_loop3A_230 : i32 to index
      %parallel_loop3A_491 = arith.constant 112 : index
      %parallel_loop3A_492 = tpu.vector_load %arg7[%parallel_loop3A_489, %parallel_loop3A_490, %parallel_loop3A_491] {strides = array<i32>} : memref<2x128x128xf32, #tpu.memory_space<vmem>>, vector<16xf32>,
      tpu.vector_store %arg7[%parallel_loop3A_489, %parallel_loop3A_490, %parallel_loop3A_491], %parallel_loop3A_487 {strides = array<i32>} : memref<2x128x128xf32, #tpu.memory_space<vmem>>, vector<16xf32>,
    } {sc.loop_unroll_factor = 2 : i64, sc.parallel_access}
    %add3A_116 = arith.constant 128 : i32
    %add3A_117 = arith.addi %mul3A_2, %add3A_116 : i32
    %add3A_118 = arith.constant 128 : i32
    %add3A_119 = arith.addi %mul3A_2, %add3A_118 : i32
    %dma_start3A_120 = arith.constant 1 : i32
    %dma_start3A_121 = arith.constant 0 : i32
    %dma_start3A_122 = arith.constant 1 : i32
    %dma_start3A_123 = arith.constant 0 : i32
    %dma_start3A_124 = arith.constant 0 : i32
    %dma_start3A_125 = tpu.memref_slice %arg6[%dma_start3A_120, %dma_start3A_123, %dma_start3A_124] : memref<2x128x128xf32, #tpu.memory_space<vmem>> -> memref<1x128x128xf32, #tpu.memory_space<vmem>>
    %dma_start3A_126 = tpu.memref_squeeze %dma_start3A_125 : memref<1x128x128xf32, #tpu.memory_space<vmem>> -> memref<128x128xf32, #tpu.memory_space<vmem>>
    %dma_start3A_127 = arith.constant 0 : i32
    %dma_start3A_128 = tpu.memref_slice %arg3[%add3A_117, %dma_start3A_127] : memref<8192x128xf32, #tpu.memory_space<hbm>> -> memref<128x128xf32, #tpu.memory_space<hbm>>
    %dma_start3A_129 = tpu.memref_slice %arg9[%dma_start3A_121, %dma_start3A_122] : memref<2x2x!tpu.dma_semaphore, #tpu.memory_space<semaphore_mem>> -> memref<1x1x!tpu.dma_semaphore, #tpu.memory_space<semaphore_mem>>
    %dma_start3A_130 = tpu.memref_squeeze %dma_start3A_129 : memref<1x1x!tpu.dma_semaphore, #tpu.memory_space<semaphore_mem>> -> memref<!tpu.dma_semaphore, #tpu.memory_space<semaphore_mem>>
    %dma_start3A_131 = arith.constant 0 : i32
    %dma_start3A_132 = tpu.memref_slice %arg3[%add3A_117, %dma_start3A_131] : memref<8192x128xf32, #tpu.memory_space<hbm>> -> memref<128x128xf32, #tpu.memory_space<hbm>>
    %dma_start3A_133 = arith.constant 0 : i32
    %dma_start3A_134 = arith.constant 0 : i32
    %dma_start3A_135 = tpu.memref_slice %arg6[%dma_start3A_120, %dma_start3A_133, %dma_start3A_134] : memref<2x128x128xf32, #tpu.memory_space<vmem>> -> memref<1x128x128xf32, #tpu.memory_space<vmem>>
    %dma_start3A_136 = tpu.memref_squeeze %dma_start3A_135 : memref<1x128x128xf32, #tpu.memory_space<vmem>> -> memref<128x128xf32, #tpu.memory_space<vmem>>
    tpu.enqueue_dma source(%dma_start3A_136 : memref<128x128xf32, #tpu.memory_space<vmem>>) target(%dma_start3A_132 : memref<128x128xf32, #tpu.memory_space<hbm>>) target_semaphore(%dma_start3A_130 : memref<!tpu.dma_semaphore, #tpu.memory_space<semaphore_mem>>)
    %dma_start3A_137 = arith.constant 1 : i32
    %dma_start3A_138 = arith.constant 1 : i32
    %dma_start3A_139 = arith.constant 1 : i32
    %dma_start3A_140 = arith.constant 0 : i32
    %dma_start3A_141 = arith.constant 0 : i32
    %dma_start3A_142 = tpu.memref_slice %arg7[%dma_start3A_137, %dma_start3A_140, %dma_start3A_141] : memref<2x128x128xf32, #tpu.memory_space<vmem>> -> memref<1x128x128xf32, #tpu.memory_space<vmem>>
    %dma_start3A_143 = tpu.memref_squeeze %dma_start3A_142 : memref<1x128x128xf32, #tpu.memory_space<vmem>> -> memref<128x128xf32, #tpu.memory_space<vmem>>
    %dma_start3A_144 = arith.constant 0 : i32
    %dma_start3A_145 = tpu.memref_slice %arg4[%add3A_119, %dma_start3A_144] : memref<8192x128xf32, #tpu.memory_space<hbm>> -> memref<128x128xf32, #tpu.memory_space<hbm>>
    %dma_start3A_146 = tpu.memref_slice %arg9[%dma_start3A_138, %dma_start3A_139] : memref<2x2x!tpu.dma_semaphore, #tpu.memory_space<semaphore_mem>> -> memref<1x1x!tpu.dma_semaphore, #tpu.memory_space<semaphore_mem>>
    %dma_start3A_147 = tpu.memref_squeeze %dma_start3A_146 : memref<1x1x!tpu.dma_semaphore, #tpu.memory_space<semaphore_mem>> -> memref<!tpu.dma_semaphore, #tpu.memory_space<semaphore_mem>>
    %dma_start3A_148 = arith.constant 0 : i32
    %dma_start3A_149 = tpu.memref_slice %arg4[%add3A_119, %dma_start3A_148] : memref<8192x128xf32, #tpu.memory_space<hbm>> -> memref<128x128xf32, #tpu.memory_space<hbm>>
    %dma_start3A_150 = arith.constant 0 : i32
    %dma_start3A_151 = arith.constant 0 : i32
    %dma_start3A_152 = tpu.memref_slice %arg7[%dma_start3A_137, %dma_start3A_150, %dma_start3A_151] : memref<2x128x128xf32, #tpu.memory_space<vmem>> -> memref<1x128x128xf32, #tpu.memory_space<vmem>>
    %dma_start3A_153 = tpu.memref_squeeze %dma_start3A_152 : memref<1x128x128xf32, #tpu.memory_space<vmem>> -> memref<128x128xf32, #tpu.memory_space<vmem>>
    tpu.enqueue_dma source(%dma_start3A_153 : memref<128x128xf32, #tpu.memory_space<vmem>>) target(%dma_start3A_149 : memref<128x128xf32, #tpu.memory_space<hbm>>) target_semaphore(%dma_start3A_147 : memref<!tpu.dma_semaphore, #tpu.memory_space<semaphore_mem>>)
    %add3A_154 = arith.constant 0 : i32
    %add3A_155 = arith.addi %mul3A_2, %add3A_154 : i32
    %add3A_156 = arith.constant 0 : i32
    %add3A_157 = arith.addi %mul3A_2, %add3A_156 : i32
    %dma_wait3A_158 = arith.constant 0 : i32
    %dma_wait3A_159 = arith.constant 0 : i32
    %dma_wait3A_160 = arith.constant 0 : i32
    %dma_wait3A_161 = arith.constant 0 : i32
    %dma_wait3A_162 = arith.constant 0 : i32
    %dma_wait3A_163 = tpu.memref_slice %arg6[%dma_wait3A_158, %dma_wait3A_161, %dma_wait3A_162] : memref<2x128x128xf32, #tpu.memory_space<vmem>> -> memref<1x128x128xf32, #tpu.memory_space<vmem>>
    %dma_wait3A_164 = tpu.memref_squeeze %dma_wait3A_163 : memref<1x128x128xf32, #tpu.memory_space<vmem>> -> memref<128x128xf32, #tpu.memory_space<vmem>>
    %dma_wait3A_165 = arith.constant 0 : i32
    %dma_wait3A_166 = tpu.memref_slice %arg3[%add3A_155, %dma_wait3A_165] : memref<8192x128xf32, #tpu.memory_space<hbm>> -> memref<128x128xf32, #tpu.memory_space<hbm>>
    %dma_wait3A_167 = tpu.memref_slice %arg9[%dma_wait3A_159, %dma_wait3A_160] : memref<2x2x!tpu.dma_semaphore, #tpu.memory_space<semaphore_mem>> -> memref<1x1x!tpu.dma_semaphore, #tpu.memory_space<semaphore_mem>>
    %dma_wait3A_168 = tpu.memref_squeeze %dma_wait3A_167 : memref<1x1x!tpu.dma_semaphore, #tpu.memory_space<semaphore_mem>> -> memref<!tpu.dma_semaphore, #tpu.memory_space<semaphore_mem>>
    %dma_wait3A_169 = arith.constant 0 : i32
    %dma_wait3A_170 = tpu.memref_slice %arg3[%add3A_155, %dma_wait3A_169] : memref<8192x128xf32, #tpu.memory_space<hbm>> -> memref<128x128xf32, #tpu.memory_space<hbm>>
    %dma_wait3A_171 = arith.constant 0 : i32
    %dma_wait3A_172 = arith.constant 0 : i32
    %dma_wait3A_173 = tpu.memref_slice %arg6[%dma_wait3A_158, %dma_wait3A_171, %dma_wait3A_172] : memref<2x128x128xf32, #tpu.memory_space<vmem>> -> memref<1x128x128xf32, #tpu.memory_space<vmem>>
    %dma_wait3A_174 = tpu.memref_squeeze %dma_wait3A_173 : memref<1x128x128xf32, #tpu.memory_space<vmem>> -> memref<128x128xf32, #tpu.memory_space<vmem>>
    tpu.wait_dma2 semaphore(%dma_wait3A_168 : memref<!tpu.dma_semaphore, #tpu.memory_space<semaphore_mem>>) src(%dma_wait3A_174 : memref<128x128xf32, #tpu.memory_space<vmem>>) dst(%dma_wait3A_170 : memref<128x128xf32, #tpu.memory_space<hbm>>)
    %dma_wait3A_175 = arith.constant 0 : i32
    %dma_wait3A_176 = arith.constant 1 : i32
    %dma_wait3A_177 = arith.constant 0 : i32
    %dma_wait3A_178 = arith.constant 0 : i32
    %dma_wait3A_179 = arith.constant 0 : i32
    %dma_wait3A_180 = tpu.memref_slice %arg7[%dma_wait3A_175, %dma_wait3A_178, %dma_wait3A_179] : memref<2x128x128xf32, #tpu.memory_space<vmem>> -> memref<1x128x128xf32, #tpu.memory_space<vmem>>
    %dma_wait3A_181 = tpu.memref_squeeze %dma_wait3A_180 : memref<1x128x128xf32, #tpu.memory_space<vmem>> -> memref<128x128xf32, #tpu.memory_space<vmem>>
    %dma_wait3A_182 = arith.constant 0 : i32
    %dma_wait3A_183 = tpu.memref_slice %arg4[%add3A_157, %dma_wait3A_182] : memref<8192x128xf32, #tpu.memory_space<hbm>> -> memref<128x128xf32, #tpu.memory_space<hbm>>
    %dma_wait3A_184 = tpu.memref_slice %arg9[%dma_wait3A_176, %dma_wait3A_177] : memref<2x2x!tpu.dma_semaphore, #tpu.memory_space<semaphore_mem>> -> memref<1x1x!tpu.dma_semaphore, #tpu.memory_space<semaphore_mem>>
    %dma_wait3A_185 = tpu.memref_squeeze %dma_wait3A_184 : memref<1x1x!tpu.dma_semaphore, #tpu.memory_space<semaphore_mem>> -> memref<!tpu.dma_semaphore, #tpu.memory_space<semaphore_mem>>
    %dma_wait3A_186 = arith.constant 0 : i32
    %dma_wait3A_187 = tpu.memref_slice %arg4[%add3A_157, %dma_wait3A_186] : memref<8192x128xf32, #tpu.memory_space<hbm>> -> memref<128x128xf32, #tpu.memory_space<hbm>>
    %dma_wait3A_188 = arith.constant 0 : i32
    %dma_wait3A_189 = arith.constant 0 : i32
    %dma_wait3A_190 = tpu.memref_slice %arg7[%dma_wait3A_175, %dma_wait3A_188, %dma_wait3A_189] : memref<2x128x128xf32, #tpu.memory_space<vmem>> -> memref<1x128x128xf32, #tpu.memory_space<vmem>>
    %dma_wait3A_191 = tpu.memref_squeeze %dma_wait3A_190 : memref<1x128x128xf32, #tpu.memory_space<vmem>> -> memref<128x128xf32, #tpu.memory_space<vmem>>
    tpu.wait_dma2 semaphore(%dma_wait3A_185 : memref<!tpu.dma_semaphore, #tpu.memory_space<semaphore_mem>>) src(%dma_wait3A_191 : memref<128x128xf32, #tpu.memory_space<vmem>>) dst(%dma_wait3A_187 : memref<128x128xf32, #tpu.memory_space<hbm>>)
    %add3A_192 = arith.constant 128 : i32
    %add3A_193 = arith.addi %mul3A_2, %add3A_192 : i32
    %add3A_194 = arith.constant 128 : i32
    %add3A_195 = arith.addi %mul3A_2, %add3A_194 : i32
    %dma_wait3A_196 = arith.constant 1 : i32
    %dma_wait3A_197 = arith.constant 0 : i32
    %dma_wait3A_198 = arith.constant 1 : i32
    %dma_wait3A_199 = arith.constant 0 : i32
    %dma_wait3A_200 = arith.constant 0 : i32
    %dma_wait3A_201 = tpu.memref_slice %arg6[%dma_wait3A_196, %dma_wait3A_199, %dma_wait3A_200] : memref<2x128x128xf32, #tpu.memory_space<vmem>> -> memref<1x128x128xf32, #tpu.memory_space<vmem>>
    %dma_wait3A_202 = tpu.memref_squeeze %dma_wait3A_201 : memref<1x128x128xf32, #tpu.memory_space<vmem>> -> memref<128x128xf32, #tpu.memory_space<vmem>>
    %dma_wait3A_203 = arith.constant 0 : i32
    %dma_wait3A_204 = tpu.memref_slice %arg3[%add3A_193, %dma_wait3A_203] : memref<8192x128xf32, #tpu.memory_space<hbm>> -> memref<128x128xf32, #tpu.memory_space<hbm>>
    %dma_wait3A_205 = tpu.memref_slice %arg9[%dma_wait3A_197, %dma_wait3A_198] : memref<2x2x!tpu.dma_semaphore, #tpu.memory_space<semaphore_mem>> -> memref<1x1x!tpu.dma_semaphore, #tpu.memory_space<semaphore_mem>>
    %dma_wait3A_206 = tpu.memref_squeeze %dma_wait3A_205 : memref<1x1x!tpu.dma_semaphore, #tpu.memory_space<semaphore_mem>> -> memref<!tpu.dma_semaphore, #tpu.memory_space<semaphore_mem>>
    %dma_wait3A_207 = arith.constant 0 : i32
    %dma_wait3A_208 = tpu.memref_slice %arg3[%add3A_193, %dma_wait3A_207] : memref<8192x128xf32, #tpu.memory_space<hbm>> -> memref<128x128xf32, #tpu.memory_space<hbm>>
    %dma_wait3A_209 = arith.constant 0 : i32
    %dma_wait3A_210 = arith.constant 0 : i32
    %dma_wait3A_211 = tpu.memref_slice %arg6[%dma_wait3A_196, %dma_wait3A_209, %dma_wait3A_210] : memref<2x128x128xf32, #tpu.memory_space<vmem>> -> memref<1x128x128xf32, #tpu.memory_space<vmem>>
    %dma_wait3A_212 = tpu.memref_squeeze %dma_wait3A_211 : memref<1x128x128xf32, #tpu.memory_space<vmem>> -> memref<128x128xf32, #tpu.memory_space<vmem>>
    tpu.wait_dma2 semaphore(%dma_wait3A_206 : memref<!tpu.dma_semaphore, #tpu.memory_space<semaphore_mem>>) src(%dma_wait3A_212 : memref<128x128xf32, #tpu.memory_space<vmem>>) dst(%dma_wait3A_208 : memref<128x128xf32, #tpu.memory_space<hbm>>)
    %dma_wait3A_213 = arith.constant 1 : i32
    %dma_wait3A_214 = arith.constant 1 : i32
    %dma_wait3A_215 = arith.constant 1 : i32
    %dma_wait3A_216 = arith.constant 0 : i32
    %dma_wait3A_217 = arith.constant 0 : i32
    %dma_wait3A_218 = tpu.memref_slice %arg7[%dma_wait3A_213, %dma_wait3A_216, %dma_wait3A_217] : memref<2x128x128xf32, #tpu.memory_space<vmem>> -> memref<1x128x128xf32, #tpu.memory_space<vmem>>
    %dma_wait3A_219 = tpu.memref_squeeze %dma_wait3A_218 : memref<1x128x128xf32, #tpu.memory_space<vmem>> -> memref<128x128xf32, #tpu.memory_space<vmem>>
    %dma_wait3A_220 = arith.constant 0 : i32
    %dma_wait3A_221 = tpu.memref_slice %arg4[%add3A_195, %dma_wait3A_220] : memref<8192x128xf32, #tpu.memory_space<hbm>> -> memref<128x128xf32, #tpu.memory_space<hbm>>
    %dma_wait3A_222 = tpu.memref_slice %arg9[%dma_wait3A_214, %dma_wait3A_215] : memref<2x2x!tpu.dma_semaphore, #tpu.memory_space<semaphore_mem>> -> memref<1x1x!tpu.dma_semaphore, #tpu.memory_space<semaphore_mem>>
    %dma_wait3A_223 = tpu.memref_squeeze %dma_wait3A_222 : memref<1x1x!tpu.dma_semaphore, #tpu.memory_space<semaphore_mem>> -> memref<!tpu.dma_semaphore, #tpu.memory_space<semaphore_mem>>
    %dma_wait3A_224 = arith.constant 0 : i32
    %dma_wait3A_225 = tpu.memref_slice %arg4[%add3A_195, %dma_wait3A_224] : memref<8192x128xf32, #tpu.memory_space<hbm>> -> memref<128x128xf32, #tpu.memory_space<hbm>>
    %dma_wait3A_226 = arith.constant 0 : i32
    %dma_wait3A_227 = arith.constant 0 : i32
    %dma_wait3A_228 = tpu.memref_slice %arg7[%dma_wait3A_213, %dma_wait3A_226, %dma_wait3A_227] : memref<2x128x128xf32, #tpu.memory_space<vmem>> -> memref<1x128x128xf32, #tpu.memory_space<vmem>>
    %dma_wait3A_229 = tpu.memref_squeeze %dma_wait3A_228 : memref<1x128x128xf32, #tpu.memory_space<vmem>> -> memref<128x128xf32, #tpu.memory_space<vmem>>
    tpu.wait_dma2 semaphore(%dma_wait3A_223 : memref<!tpu.dma_semaphore, #tpu.memory_space<semaphore_mem>>) src(%dma_wait3A_229 : memref<128x128xf32, #tpu.memory_space<vmem>>) dst(%dma_wait3A_225 : memref<128x128xf32, #tpu.memory_space<hbm>>)
    return
  }
}

</mosaic_0001>

<sc_bundles>
// kernel: kernel.3.cloned.1.call-start
scs
__scs_entry_jumppad:
0x0: {  	(pc) =	sbr.rel $0x88, $3  }
0x1: {  	(tag) =	ssettag $0x0;
	lr =	simm.s32 $0x1  }
0x2: {  	[smem:$0x3FA0] =	sst lr;
	_ =	strace $0xD0000000  }
0x3: {  	_ = 	snop  }
0x4: {  	_ = 	snop  }
0x5: {  	_ = 	snop  }
0x6: {  	_ = 	snop  }
0x7: {  	_ = 	snop  }
__scs_overlays_trampoline_lowered:
0x8: {  	[smem:$0x3FAF] =	sst s0  }
0x9: {  	[smem:$0x3FB0] =	sst s1  }
0xa: {  	[smem:$0x3FB1] =	sst s2  }
0xb: {  	[smem:$0x3FB2] =	sst s3  }
0xc: {  	[smem:$0x3FB3] =	sst s4  }
0xd: {  	[smem:$0x3FB4] =	sst s5  }
0xe: {  	[smem:$0x3FB5] =	sst s6  }
0xf: {  	[smem:$0x3FB6] =	sst s7  }
0x10: {  	[smem:$0x3FB7] =	sst s8  }
0x11: {  	[smem:$0x3FB8] =	sst s9;
	s0 =	simm.s32 @!p0 $0x0  }
0x12: {  	s1 =	sld [smem:$0x3F9E];
	s0 =	simm.s32 @p0 $0x1  }
0x13: {  	[smem:$0x3FB9] =	sst s0;
	s0 =	simm.s32 @!p1 $0x0  }
0x14: {  	s2 =	sld [smem:$0x3F9D];
	s0 =	simm.s32 @p1 $0x1  }
0x15: {  	[smem:$0x3FBA] =	sst s0;
	s0 =	simm.s32 @!p2 $0x0  }
0x16: {  	s3 =	sld [smem:$0x3FDB];
	s0 =	simm.s32 @p2 $0x1  }
0x17: {  	s4 =	simm.s32 $0x1BF5;
	[smem:$0x3FBC] =	sst s0  }
0x18: {  	s0 =	sld [smem:$0x3F9F];
	_ =	swait.ge [sflag:s4], $0x0  }
0x19: {  	s7 =	sld [smem:$0x3FA0]  }
0x1a: {  	s8 =	sadd.s32 $0xFFFFE003, lr  }
0x1b: {  	s9 =	sadd.s32 $0xFFFFFEF7, lr;
	s5 =	simm.s32 $0xFFFFFFFF;
	p2 =	slt.u32 s8, $0xFFFFF086  }
0x1c: {  	p1 =	slt.u32 s9, $0xF7A;
	s5 =	simm.s32 @!p2 $0x0  }
0x1d: {  	s5 =	simm.s32 @p1 $0x1;
	p0 =	seq.s32 s7, s2  }
0x1e: {  	s7 =	smul.u32 @!p0 $0xF7A, s2;
	p2 =	seq.s32 @!p0 s5, $0x0  }
0x1f: {  	s9 =	smul.u32 $0xF7A, s1;
	s8 =	simm.s32 @!p0 $0x1BF5;
	p2 =	por !p2, p0  }
0x20: {  	[sflag:s8] =	ssyncset.s32 @!p0 $0xFFFFF086;
	s6 =	sadd.s32 @!p0 s3, s7;
	s7 =	simm.s32 @!p0 $0x108  }
0x21: {  	s3 =	sadd.s32 s3, s9;
	s6 =	sadd.s32 @!p0 $0x88, s6;
	s7 =	simm.s32 @p2 $0x1082  }
0x22: {  	[simem:s7], [sflag:s8] =	dma.local @!p0 [hbm:s6], $0xF7A  }
0x23: {  	s9 =	sor.u32 $0xD0000000, s2;
	s6 =	simm.s32 $0x108;
	_ =	swait.ge @!p0 [sflag:s8], $0x0  }
0x24: {  	s3 =	sadd.s32 $0x88, s3;
	s6 =	simm.s32 @!p1 $0x1082;
	[sflag:s4] =	ssyncset.s32 $0xFFFFF086  }
0x25: {  	[simem:s6], [sflag:s4] =	dma.local [hbm:s3], $0xF7A  }
0x26: {  	[smem:$0x3FA0] =	sst s1;
	(tag) =	ssettag s2;
	_ =	strace s9  }
0x27: {  	s1 =	sld [smem:$0x3FB0]  }
0x28: {  	s2 =	sld [smem:$0x3FB1]  }
0x29: {  	s4 =	sld [smem:$0x3FB3]  }
0x2a: {  	p0 =	seq.s32 s5, $0x0;
	s5 =	sld [smem:$0x3FB4]  }
0x2b: {  	s6 =	sld [smem:$0x3FB5]  }
0x2c: {  	s7 =	sld [smem:$0x3FB6]  }
0x2d: {  	s3 =	simm.s32 $0x108;
	s8 =	sld [smem:$0x3FB7]  }
0x2e: {  	s3 =	simm.s32 @!p0 $0x1082;
	s9 =	sld [smem:$0x3FB8]  }
0x2f: {  	lr =	sadd.s32 s0, s3;
	s0 =	sld [smem:$0x3FAF]  }
0x30: {  	s3 =	sld [smem:$0x3FB2]  }
0x31: {  	[smem:$0x3FBB] =	sst s10  }
0x32: {  	s10 =	sld [smem:$0x3FB9];
	_ =	sdelay $0x3  }
0x33: {  	p0 =	seq.s32 s10, $0x1;
	s10 =	sld [smem:$0x3FBB];
	_ =	sdelay $0x3  }
0x34: {  	[smem:$0x3FBB] =	sst s10  }
0x35: {  	s10 =	sld [smem:$0x3FBA];
	_ =	sdelay $0x3  }
0x36: {  	p1 =	seq.s32 s10, $0x1;
	s10 =	sld [smem:$0x3FBB];
	_ =	sdelay $0x3  }
0x37: {  	[smem:$0x3FBB] =	sst s10  }
0x38: {  	s10 =	sld [smem:$0x3FBC]  }
0x39: {  	_ = 	snop;
	(pc) =	sbr.ind lr, $3  }
0x3a: {  	_ = 	snop  }
0x3b: {  	_ = 	snop  }
0x3c: {  	p2 =	seq.s32 s10, $0x1;
	s10 =	sld [smem:$0x3FBB]  }
0x3d: {  	_ =	shalt  }
0x3e: {  	_ =	shalt  }
0x3f: {  	_ =	shalt  }
0x40: {  	_ =	shalt  }
0x41: {  	_ =	shalt  }
0x42: {  	_ =	shalt  }
0x43: {  	_ =	shalt  }
0x44: {  	_ =	shalt  }
0x45: {  	_ =	shalt  }
0x46: {  	_ =	shalt  }
0x47: {  	_ =	shalt  }
0x48: {  	_ =	shalt  }
0x49: {  	_ =	shalt  }
0x4a: {  	_ =	shalt  }
0x4b: {  	_ =	shalt  }
0x4c: {  	_ =	shalt  }
0x4d: {  	_ =	shalt  }
0x4e: {  	_ =	shalt  }
0x4f: {  	_ =	shalt  }
0x50: {  	_ =	shalt  }
0x51: {  	_ =	shalt  }
0x52: {  	_ =	shalt  }
0x53: {  	_ =	shalt  }
0x54: {  	_ =	shalt  }
0x55: {  	_ =	shalt  }
0x56: {  	_ =	shalt  }
0x57: {  	_ =	shalt  }
0x58: {  	_ =	shalt  }
0x59: {  	_ =	shalt  }
0x5a: {  	_ =	shalt  }
0x5b: {  	_ =	shalt  }
0x5c: {  	_ =	shalt  }
0x5d: {  	_ =	shalt  }
0x5e: {  	_ =	shalt  }
0x5f: {  	_ =	shalt  }
0x60: {  	_ =	shalt  }
0x61: {  	_ =	shalt  }
0x62: {  	_ =	shalt  }
0x63: {  	_ =	shalt  }
0x64: {  	_ =	shalt  }
0x65: {  	_ =	shalt  }
0x66: {  	_ =	shalt  }
0x67: {  	_ =	shalt  }
0x68: {  	_ =	shalt  }
0x69: {  	_ =	shalt  }
0x6a: {  	_ =	shalt  }
0x6b: {  	_ =	shalt  }
0x6c: {  	_ =	shalt  }
0x6d: {  	_ =	shalt  }
0x6e: {  	_ =	shalt  }
0x6f: {  	_ =	shalt  }
0x70: {  	_ =	shalt  }
0x71: {  	_ =	shalt  }
0x72: {  	_ =	shalt  }
0x73: {  	_ =	shalt  }
0x74: {  	_ =	shalt  }
0x75: {  	_ =	shalt  }
0x76: {  	_ =	shalt  }
0x77: {  	_ =	shalt  }
0x78: {  	_ =	shalt  }
0x79: {  	_ =	shalt  }
0x7a: {  	_ =	shalt  }
0x7b: {  	_ =	shalt  }
0x7c: {  	_ =	shalt  }
0x7d: {  	_ =	shalt  }
0x7e: {  	_ =	shalt  }
0x7f: {  	_ =	shalt  }
0x80: {  	_ =	shalt  }
0x81: {  	_ =	shalt  }
0x82: {  	_ =	shalt  }
0x83: {  	_ =	shalt  }
0x84: {  	_ =	shalt  }
0x85: {  	_ =	shalt  }
0x86: {  	_ =	shalt  }
0x87: {  	_ =	shalt  }
.Lfunc_end0:
.L_simem_size_0:
called_computation_lowered:
.L_overlay_start_0:
0x88: {  	s2 =	sld [smem:$0x3FD9]  }
0x89: {  	s3 =	sld [smem:$0x3FFE];
	_ =	sdelay $0x1  }
0x8a: {  	s1 =	srdreg.scid  }
0x8b: {  	s0 =	sand.u32 $0x1, s1  }
0x8c: {  	s14 =	sshll.u32 s0, $0xA;
	s2 =	sadd.s32 s3, s2  }
0x8d: {  	s2 =	sadd.s32 s2, s14  }
0x8e: {  	[smem:$0x3FC7] =	sst s2  }
0x8f: {  	_ = 	snop  }
0x90: {  	s2 =	sld [smem:$0x3FD0];
	_ =	sdelay $0x2  }
0x91: {  	s15 =	simm.s32 $0xA;
	s4 =	simm.s32 $0x10  }
0x92: {  	[smem:s4], [sflag:s15] =	dma.local [hbm:s2], $0x1  }
0x93: {  	_ =	swait.eq [sflag:s15], $0x1  }
0x94: {  	[sflag:s15] =	ssyncset.done $0x0  }
0x95: {  	s16 =	sld [smem:$0x10];
	[sflag:s15] =	ssyncadd.s32 $0xFFFFFFFF  }
0x96: {  	s17 =	sld [smem:$0x11];
	(tm) =	ssettm $0x1  }
0x97: {  	s18 =	sld [smem:$0x3FFB];
	_ =	sdelay $0x3  }
0x98: {  	_ =	strace s18  }
0x99: {  	s4 =	sld [smem:$0x3FFC];
	_ =	sdelay $0x3  }
0x9a: {  	_ =	strace s4  }
0x9b: {  	s4 =	sld [smem:$0x3FFD];
	_ =	sdelay $0x3  }
0x9c: {  	_ =	strace s4  }
0x9d: {  	_ =	strace $0x8FFFFFFF  }
0x9e: {  	s19 =	sld [smem:$0x3FDB];
	_ =	sdelay $0x1  }
0x9f: {  	s5 =	simm.s32 $_scs_section_size  }
0xa0: {  	s6 =	simm.s32 $_size__tile_overlayer_lowered;
	s7 =	simm.s32 $_tile_overlayer_lowered  }
0xa1: {  	s22 =	simm.s32 $0x1BFF;
	s21 =	sshll.u32 s7, $0x1;
	s4 =	sadd.s32 s5, s19  }
0xa2: {  	s8 =	simm.s32 $0x0;
	s20 =	sshll.u32 s6, $0x1;
	s6 =	sadd.s32 s21, s4  }
0xa3: {  	[timem:s8], [sflag:s22] =	dma.local [hbm:s6], s20  }
0xa4: {  	_ =	swait.ge [sflag:s22], s20  }
0xa5: {  	s5 =	ssub.s32 $0x0, s20;
	[sflag:s22] =	ssyncset.done $0x0  }
0xa6: {  	[sflag:s22] =	ssyncadd.s32 s5;
	_ =	sdelay $0x1  }
0xa7: {  	s23 =	simm.s32 $0x1B8B  }
0xa8: {  	_ =	swait.ge [sflag:s23], $0x1  }
0xa9: {  	[sflag:s23] =	ssyncset.done $0x0  }
0xaa: {  	s25 =	simm.s32 $0x1B8E;
	s24 =	sld [smem:$0x3FFE];
	[sflag:s23] =	ssyncadd.s32 $0xFFFFFFFF  }
0xab: {  	s26 =	simm.s32 $execute0_lowered;
	[smem:$0x3FD2] =	sst s25  }
0xac: {  	s6 =	sshll.u32 s26, $0x1;
	_ =	strace $0x80000046;
	[dreg:$0x1] =	wrdreg $0xFFFFFFFF  }
0xad: {  	s28 =	simm.s32 $_size_execute0_lowered;
	s4 =	sadd.s32 s4, s6;
	[dreg:$0x0] =	wrdreg $0x0  }
0xae: {  	s6 =	sshll.u32 s28, $0x1;
	[dreg:$0x2] =	wrdreg s4  }
0xaf: {  	[dreg:$0x3] =	wrdreg s6  }
0xb0: {  	[dreg:$0x4] =	wrdreg $0xC0  }
0xb1: {  	_ =	task [dreg:s8], $0x5FFFF  }
0xb2: {  	[dreg:$0x1] =	wrdreg $0xFFFFFFFF  }
0xb3: {  	[dreg:$0x0] =	wrdreg $0x60  }
0xb4: {  	[dreg:$0x2] =	wrdreg s17  }
0xb5: {  	[dreg:$0x3] =	wrdreg s16  }
0xb6: {  	[dreg:$0x4] =	wrdreg s24  }
0xb7: {  	[dreg:$0x5] =	wrdreg $0x9  }
0xb8: {  	_ =	task.clear_ibuf [dreg:s8], $0x6FFFF;
	_ =	strace $0x90000046  }
0xb9: {  	s29 =	simm.s32 $0x9;
	_ =	strace $0x80000048  }
0xba: {  	_ =	swait.ge [sflag:s29], $0x1  }
0xbb: {  	[sflag:s29] =	ssyncadd.s32 $0xFFFFFFFF  }
0xbc: {  	_ =	strace $0x90000048  }
0xbd: {  	_ =	sfence  }
0xbe: {  	s30 =	sld [smem:$0x0];
	_ =	sdelay $0x2  }
0xbf: {  	s31 =	sshll.u32 s1, $0xD;
	s1 =	sshrl.u32 s1, $0x2  }
0xc0: {  	s3 =	sand.u32 $0x4000, s31;
	s1 =	sadd.s32 s1, s30  }
0xc1: {  	s0 =	sor.u32 s3, s0;
	s1 =	sshll.u32 s1, $0x11  }
0xc2: {  	s0 =	sor.u32 s1, s0  }
0xc3: {  	s0 =	sadd.s32 $0x8F2B, s0  }
0xc4: {  	[sflag:s0] =	ssyncadd.remote.s32 $0x1  }
0xc5: {  	_ =	sfence.sel $0xFFFF  }
0xc6: {  	[dreg:$0x0] =	wrdreg $0xFFFFFFFF;
	(pc) =	sbr.abs _section_cstart, $3  }
0xc7: {  	[dreg:$0x1] =	wrdreg $0xFFFFFFFF  }
0xc8: {  	_ =	task.clear_ibuf [dreg:s8], $0x2FFFF;
	_ =	strace $0x9FFFFFFF  }
0xc9: {  	(tm) =	ssettm $0x7FFFFFFF  }
tec
execute0_lowered:
.L_overlay_start_1:
0x0: {  	(tag) =	ssettag $0x1  }
0x1: {  	s0 =	rddreg [dreg:$0x0]  }
0x2: {  	s1 =	rddreg [dreg:$0x1]  }
0x3: {  	s3 =	rddreg [dreg:$0x2];
	s2 =	simm.s32 $0x0  }
0x4: {  	s4 =	srdreg.scid;
	s6 =	stileid.u32;
	s13 =	simm.s32 $0x10000  }
0x5: {  	s14 =	simm.s32 $0x2;
	s15 =	simm.s32 $0xC000;
	s16 =	simm.s32 $0x14000  }
0x6: {  	s17 =	simm.s32 $0x3;
	s18 =	simm.s32 $0x5;
	s19 =	simm.s32 $0x4  }
0x7: {  	s20 =	simm.s32 $0x6;
	s21 =	simm.s32 $0x0;
	s4 =	sand.u32 $0x1, s4  }
0x8: {  	[smem:$0x7FF] =	sst s2;
	s6 =	sshll.u32 s6, $0xD;
	s5 =	ssub.s32 $0x2, s4  }
0x9: {  	s8 =	sadd.s32 $0xA00, s3;
	s4 =	sshll.u32 s4, $0xC;
	s31 =	sshrl.u32 s5, $0x1  }
0xa: {  	_ =	strace $0x80000047;
	s6 =	sor.u32 s4, s6;
	s9 =	ssub.s32 s5, s31  }
0xb: {  	s3 =	sadd.s32 s0, s6;
	s10 =	sor.u32 $0x800, s6;
	s5 =	sadd.s32 s1, s6  }
0xc: {  	s6 =	sadd.s32 s8, s6;
	s4 =	sadd.s32 s0, s10;
	s7 =	sadd.s32 s1, s10  }
0xd: {  	v0 =	vimm.s32 $0x7;
	v1 =	vimm.f32 $0.0e+00;
	s8 =	sadd.s32 s8, s10;
	s9 =	smax.u32 s9, $0x1;
	s10 =	simm.s32 $0x1  }
.LBB2_1:
0xe: {  	[tilespmem:s2], [sflag:$0x1] =	stream.linear.gather [hbm4b:s3+s2], $0x4000, $0x38;
	[tilespmem:$0x18000] =	vst v63  }
0xf: {  	_ =	swait.ge [sflag:s10], $0x4000  }
0x10: {  	[sflag:s10] =	ssyncset.done $0x0  }
0x11: {  	s0 =	simm.s32 $0x4000;
	s1 =	simm.s32 $0x80;
	[sflag:s10] =	ssyncadd.s32 $0xFFFFC000  }
0x12: {  	[tilespmem:s0], [sflag:$0x2] =	stream.linear.gather [hbm4b:s4+s2], $0x4000, $0x38;
	[tilespmem:$0x18000] =	vst v63  }
0x13: {  	v12 =	vld [tilespmem:s1+$0x30]  }
0x14: {  	v9 =	vld [tilespmem:s1+$0x10]  }
0x15: {  	v10 =	vld [tilespmem:s1+$0x20]  }
0x16: {  	v13 =	vld [tilespmem:s1+$0xFFFFFFB0]  }
0x17: {  	v14 =	vld [tilespmem:s1+$0x0]  }
0x18: {  	(xrf1) =	vsort.ascd.msk.f32 $0xffff, v12, v12  }
0x19: {  	(xrf1) =	vsort.ascd.msk.f32 $0xffff, v9, v9  }
0x1a: {  	(xrf1) =	vsort.dscd.msk.f32 $0xffff, v10, v10  }
0x1b: {  	(xrf1) =	vsort.ascd.msk.f32 $0xffff, v13, v13  }
0x1c: {  	(xrf1) =	vsort.dscd.msk.f32 $0xffff, v14, v14  }
0x1d: {  	v15 =	vld [tilespmem:s1+$0xFFFFFFA0]  }
0x1e: {  	v16 =	vld [tilespmem:s1+$0xFFFFFF80]  }
0x1f: {  	v17 =	vld [tilespmem:s1+$0xFFFFFF90];
	_ =	sdelay $0x2  }
0x20: {  	(xrf1) =	vsort.dscd.msk.f32 $0xffff, v15, v15  }
0x21: {  	(xrf1) =	vsort.dscd.msk.f32 $0xffff, v16, v16  }
0x22: {  	(xrf1) =	vsort.ascd.msk.f32 $0xffff, v17, v17;
	_ =	sdelay $0x1  }
0x23: {  	v2, _, _ =	vpop (xrf1)  }
0x24: {  	v3, _, _ =	vpop (xrf1)  }
0x25: {  	v4, _, _ =	vpop (xrf1)  }
0x26: {  	v5, _, _ =	vpop (xrf1)  }
0x27: {  	v6, _, _ =	vpop (xrf1)  }
0x28: {  	v3 =	vmax.f32 v6, v3  }
0x29: {  	v2 =	vmax.f32 v4, v2;
	(xrf1) =	vsort.dscd.msk.f32 $0xffff, v3, v3  }
0x2a: {  	(xrf1) =	vsort.ascd.msk.f32 $0xffff, v2, v2;
	_ =	sdelay $0x2  }
0x2b: {  	v2, _, _ =	vpop (xrf1)  }
0x2c: {  	v3, _, _ =	vpop (xrf1)  }
0x2d: {  	s26 =	simm.s32 $0x180;
	v2 =	vmax.f32 v2, v5;
	v4, _, _ =	vpop (xrf1)  }
0x2e: {  	(xrf1) =	vsort.ascd.msk.f32 $0xffff, v2, v2;
	v4 =	vmax.f32 v3, v4;
	v3 =	vld [tilespmem:s26+$0x30]  }
0x2f: {  	v8 =	vld [tilespmem:s26+$0x10];
	(xrf1) =	vsort.dscd.msk.f32 $0xffff, v4, v4  }
0x30: {  	v7 =	vld [tilespmem:s26+$0x20]  }
0x31: {  	v2 =	vld [tilespmem:s26+$0xFFFFFFB0]  }
0x32: {  	v11 =	vld [tilespmem:s26+$0x0]  }
0x33: {  	(xrf1) =	vsort.ascd.msk.f32 $0xffff, v3, v3  }
0x34: {  	(xrf1) =	vsort.ascd.msk.f32 $0xffff, v8, v8  }
0x35: {  	(xrf1) =	vsort.dscd.msk.f32 $0xffff, v7, v7;
	v5, _, _ =	vpop (xrf1)  }
0x36: {  	(xrf1) =	vsort.ascd.msk.f32 $0xffff, v2, v2;
	v6, _, _ =	vpop (xrf1)  }
0x37: {  	v4 =	vld [tilespmem:s26+$0xFFFFFFA0];
	(xrf1) =	vsort.dscd.msk.f32 $0xffff, v11, v11;
	v5 =	vmax.f32 v5, v6  }
0x38: {  	v6 =	vld [tilespmem:s26+$0xFFFFFF80];
	(xrf1) =	vsort.dscd.msk.f32 $0xffff, v5, v5  }
0x39: {  	v5 =	vld [tilespmem:s26+$0xFFFFFF90];
	_ =	sdelay $0x2  }
0x3a: {  	v18, _, _ =	vpop (xrf1);
	(xrf1) =	vsort.dscd.msk.f32 $0xffff, v4, v4  }
0x3b: {  	v19, _, _ =	vpop (xrf1);
	(xrf1) =	vsort.dscd.msk.f32 $0xffff, v6, v6  }
0x3c: {  	v18 =	vmax.f32 v19, v18;
	(xrf1) =	vsort.ascd.msk.f32 $0xffff, v5, v5  }
0x3d: {  	(xrf1) =	vsort.dscd.msk.f32 $0xffff, v18, v18;
	_ =	sdelay $0x1  }
0x3e: {  	v18, _, _ =	vpop (xrf1)  }
0x3f: {  	v19, _, _ =	vpop (xrf1)  }
0x40: {  	v20, _, _ =	vpop (xrf1)  }
0x41: {  	v21, _, _ =	vpop (xrf1)  }
0x42: {  	v22, _, _ =	vpop (xrf1)  }
0x43: {  	v23, _, _ =	vpop (xrf1)  }
0x44: {  	v19 =	vmax.f32 v22, v19;
	v23 =	vperm.xlane v23, v0;
	_ =	sdelay $0x1  }
0x45: {  	v18 =	vmax.f32 v20, v18;
	(xrf1) =	vsort.dscd.msk.f32 $0xffff, v19, v19;
	vm0 =	vge.f32 v14, v23  }
0x46: {  	(xrf1) =	vsort.ascd.msk.f32 $0xffff, v18, v18;
	v19, _, _ =	vpop (xrf1);
	v18 =	vsel vm0, $0x3F800000, v1  }
0x47: {  	s22 =	simm.s32 $0x8080;
	vm12 =	vge.f32 v9, v23;
	v20, _, _ =	vpop (xrf1);
	v14 =	vmul.f32 v18, v14  }
0x48: {  	s23 =	simm.s32 $0x10080;
	[tilespmem:s22+$0x0] =	vst v18;
	v18 =	vsel vm12, $0x3F800000, v1;
	v22, _, _ =	vpop (xrf1)  }
0x49: {  	vm1 =	vge.f32 v10, v23;
	v9 =	vmul.f32 v18, v9;
	[tilespmem:s23+$0x0] =	vst v14;
	v14 =	vmax.f32 v20, v22;
	v20, _, _ =	vpop (xrf1)  }
0x4a: {  	v19 =	vmax.f32 v19, v21;
	[tilespmem:s22+$0x10] =	vst v18;
	v18 =	vsel vm1, $0x3F800000, v1;
	v20 =	vperm.xlane v20, v0  }
0x4b: {  	s30 =	simm.s32 $0x280;
	(xrf1) =	vsort.ascd.msk.f32 $0xffff, v19, v19;
	[tilespmem:s23+$0x10] =	vst v9;
	v10 =	vmul.f32 v18, v10  }
0x4c: {  	vm13 =	vge.f32 v12, v23;
	(xrf1) =	vsort.dscd.msk.f32 $0xffff, v14, v14;
	v9 =	vld [tilespmem:s30+$0x30];
	[tilespmem:s22+$0x20] =	vst v18;
	vm14 =	vge.f32 v16, v20  }
0x4d: {  	v19 =	vld [tilespmem:s30+$0x10];
	v21 =	vsel vm13, $0x3F800000, v1;
	[tilespmem:s23+$0x20] =	vst v10;
	v18 =	vsel vm14, $0x3F800000, v1  }
0x4e: {  	v14 =	vld [tilespmem:s30+$0x20];
	vm15 =	vge.f32 v17, v20;
	v16 =	vmul.f32 v18, v16;
	[tilespmem:s22+$0x30] =	vst v21  }
0x4f: {  	v10 =	vld [tilespmem:s30+$0xFFFFFFB0];
	[tilespmem:s22+$0xFFFFFF80] =	vst v18;
	v18 =	vsel vm15, $0x3F800000, v1  }
0x50: {  	v12 =	vmul.f32 v21, v12;
	v21 =	vld [tilespmem:s30+$0x0];
	[tilespmem:s23+$0xFFFFFF80] =	vst v16;
	v16 =	vmul.f32 v18, v17  }
0x51: {  	(xrf1) =	vsort.ascd.msk.f32 $0xffff, v9, v9  }
0x52: {  	vm4 =	vge.f32 v15, v20;
	[tilespmem:s23+$0x30] =	vst v12;
	(xrf1) =	vsort.ascd.msk.f32 $0xffff, v19, v19  }
0x53: {  	v12 =	vsel vm4, $0x3F800000, v1;
	v33 =	vld [tilespmem:s1+$0x40];
	v17, _, _ =	vpop (xrf1);
	[tilespmem:s22+$0xFFFFFF90] =	vst v18;
	(xrf1) =	vsort.dscd.msk.f32 $0xffff, v14, v14  }
0x54: {  	v22 =	vld [tilespmem:s30+$0xFFFFFFA0];
	vm5 =	vge.f32 v13, v20;
	v15 =	vmul.f32 v12, v15;
	[tilespmem:s23+$0xFFFFFF90] =	vst v16;
	(xrf1) =	vsort.ascd.msk.f32 $0xffff, v10, v10;
	v16, _, _ =	vpop (xrf1)  }
0x55: {  	v25 =	vld [tilespmem:s30+$0xFFFFFF80];
	[tilespmem:s22+$0xFFFFFFA0] =	vst v12;
	v12 =	vsel vm5, $0x3F800000, v1;
	(xrf1) =	vsort.dscd.msk.f32 $0xffff, v21, v21;
	v16 =	vmax.f32 v17, v16  }
0x56: {  	v23 =	vld [tilespmem:s30+$0xFFFFFF90];
	v13 =	vmul.f32 v12, v13;
	[tilespmem:s23+$0xFFFFFFA0] =	vst v15;
	(xrf1) =	vsort.dscd.msk.f32 $0xffff, v16, v16  }
0x57: {  	[tilespmem:s22+$0xFFFFFFB0] =	vst v12  }
0x58: {  	v34 =	vld [tilespmem:s1+$0x50];
	[tilespmem:s23+$0xFFFFFFB0] =	vst v13;
	(xrf1) =	vsort.dscd.msk.f32 $0xffff, v33, v33  }
0x59: {  	v12, _, _ =	vpop (xrf1);
	v29 =	vld [tilespmem:s1+$0xFFFFFFC0];
	(xrf1) =	vsort.dscd.msk.f32 $0xffff, v22, v22  }
0x5a: {  	v28 =	vld [tilespmem:s1+$0xFFFFFFD0];
	v13, _, _ =	vpop (xrf1);
	(xrf1) =	vsort.dscd.msk.f32 $0xffff, v25, v25  }
0x5b: {  	v36 =	vld [tilespmem:s1+$0xFFFFFFE0];
	v12 =	vmax.f32 v13, v12;
	(xrf1) =	vsort.ascd.msk.f32 $0xffff, v23, v23  }
0x5c: {  	v32 =	vld [tilespmem:s1+$0xFFFFFFF0];
	(xrf1) =	vsort.dscd.msk.f32 $0xffff, v12, v12  }
0x5d: {  	(xrf1) =	vsort.ascd.msk.f32 $0xffff, v34, v34  }
0x5e: {  	(xrf1) =	vsort.dscd.msk.f32 $0xffff, v29, v29  }
0x5f: {  	(xrf1) =	vsort.ascd.msk.f32 $0xffff, v28, v28;
	v12, _, _ =	vpop (xrf1)  }
0x60: {  	(xrf1) =	vsort.dscd.msk.f32 $0xffff, v36, v36;
	v13, _, _ =	vpop (xrf1)  }
0x61: {  	(xrf1) =	vsort.ascd.msk.f32 $0xffff, v32, v32;
	v15, _, _ =	vpop (xrf1)  }
0x62: {  	v16, _, _ =	vpop (xrf1)  }
0x63: {  	v17, _, _ =	vpop (xrf1)  }
0x64: {  	v13 =	vmax.f32 v17, v13;
	v18, _, _ =	vpop (xrf1)  }
0x65: {  	v35 =	vld [tilespmem:s1+$0x70];
	v12 =	vmax.f32 v15, v12;
	(xrf1) =	vsort.dscd.msk.f32 $0xffff, v13, v13;
	v13 =	vperm.xlane v18, v0  }
0x66: {  	v24, _, _ =	vpop (xrf1)  }
0x67: {  	v37 =	vld [tilespmem:s1+$0x60];
	v15, _, _ =	vpop (xrf1);
	(xrf1) =	vsort.ascd.msk.f32 $0xffff, v12, v12;
	vm6 =	vge.f32 v11, v13  }
0x68: {  	v12, _, _ =	vpop (xrf1);
	v18 =	vsel vm6, $0x3F800000, v1  }
0x69: {  	s24 =	simm.s32 $0x8180;
	vm7 =	vge.f32 v8, v13;
	v17, _, _ =	vpop (xrf1);
	v11 =	vmul.f32 v18, v11  }
0x6a: {  	s25 =	simm.s32 $0x10180;
	(xrf1) =	vsort.ascd.msk.f32 $0xffff, v35, v35;
	v20, _, _ =	vpop (xrf1);
	[tilespmem:s24+$0x0] =	vst v18;
	v18 =	vsel vm7, $0x3F800000, v1  }
0x6b: {  	v26, _, _ =	vpop (xrf1);
	v8 =	vmul.f32 v18, v8;
	[tilespmem:s25+$0x0] =	vst v11;
	v11 =	vmax.f32 v12, v17;
	v12 =	vmax.f32 v15, v16  }
0x6c: {  	vm8 =	vge.f32 v7, v13;
	(xrf1) =	vsort.dscd.msk.f32 $0xffff, v37, v37;
	v27, _, _ =	vpop (xrf1)  }
0x6d: {  	v17 =	vsel vm8, $0x3F800000, v1;
	v30, _, _ =	vpop (xrf1);
	[tilespmem:s24+$0x10] =	vst v18;
	v18 =	vperm.xlane v20, v0  }
0x6e: {  	s29 =	simm.s32 $0x380;
	(xrf1) =	vsort.ascd.msk.f32 $0xffff, v12, v12;
	v7 =	vmul.f32 v17, v7;
	[tilespmem:s25+$0x10] =	vst v8;
	v12, _, _ =	vpop (xrf1)  }
0x6f: {  	vm9 =	vge.f32 v3, v13;
	v15 =	vld [tilespmem:s29+$0x30];
	(xrf1) =	vsort.dscd.msk.f32 $0xffff, v11, v11;
	[tilespmem:s24+$0x20] =	vst v17;
	vm10 =	vge.f32 v6, v18;
	v8, _, _ =	vpop (xrf1)  }
0x70: {  	v16 =	vld [tilespmem:s29+$0x10];
	vm11 =	vge.f32 v5, v18;
	[tilespmem:s25+$0x20] =	vst v7;
	v7 =	vsel vm9, $0x3F800000, v1;
	v8 =	vmax.f32 v12, v8  }
0x71: {  	v17 =	vld [tilespmem:s29+$0x20];
	[tilespmem:s24+$0x30] =	vst v7;
	v3 =	vmul.f32 v7, v3;
	(xrf1) =	vsort.ascd.msk.f32 $0xffff, v8, v8;
	v8 =	vsel vm10, $0x3F800000, v1  }
0x72: {  	v11 =	vmax.f32 v27, v30;
	v12 =	vld [tilespmem:s29+$0xFFFFFFB0];
	v7 =	vsel vm11, $0x3F800000, v1;
	v6 =	vmul.f32 v8, v6;
	[tilespmem:s24+$0xFFFFFF80] =	vst v8  }
0x73: {  	v20 =	vld [tilespmem:s29+$0x0];
	(xrf1) =	vsort.dscd.msk.f32 $0xffff, v11, v11;
	[tilespmem:s25+$0x30] =	vst v3  }
0x74: {  	vm12 =	vge.f32 v4, v18;
	v5 =	vmul.f32 v7, v5;
	(xrf1) =	vsort.ascd.msk.f32 $0xffff, v15, v15;
	v8, _, _ =	vpop (xrf1);
	[tilespmem:s25+$0xFFFFFF80] =	vst v6  }
0x75: {  	(xrf1) =	vsort.ascd.msk.f32 $0xffff, v16, v16;
	v6 =	vsel vm12, $0x3F800000, v1;
	[tilespmem:s24+$0xFFFFFF90] =	vst v7;
	v7, _, _ =	vpop (xrf1)  }
0x76: {  	v3 =	vld [tilespmem:s26+$0x40];
	(xrf1) =	vsort.dscd.msk.f32 $0xffff, v17, v17;
	v4 =	vmul.f32 v6, v4;
	[tilespmem:s25+$0xFFFFFF90] =	vst v5;
	v5 =	vmax.f32 v8, v7  }
0x77: {  	vm13 =	vge.f32 v2, v18;
	(xrf1) =	vsort.ascd.msk.f32 $0xffff, v12, v12  }
0x78: {  	v13 =	vld [tilespmem:s29+$0xFFFFFFA0];
	(xrf1) =	vsort.dscd.msk.f32 $0xffff, v20, v20;
	[tilespmem:s24+$0xFFFFFFA0] =	vst v6;
	v6 =	vsel vm13, $0x3F800000, v1  }
0x79: {  	v18 =	vld [tilespmem:s29+$0xFFFFFF80];
	v7 =	vmax.f32 v24, v26;
	(xrf1) =	vsort.dscd.msk.f32 $0xffff, v5, v5;
	v2 =	vmul.f32 v6, v2;
	v5, _, _ =	vpop (xrf1)  }
0x7a: {  	v27 =	vld [tilespmem:s29+$0xFFFFFF90];
	[tilespmem:s25+$0xFFFFFFA0] =	vst v4;
	(xrf1) =	vsort.dscd.msk.f32 $0xffff, v7, v7;
	v4, _, _ =	vpop (xrf1)  }
0x7b: {  	[tilespmem:s24+$0xFFFFFFB0] =	vst v6;
	(xrf1) =	vsort.dscd.msk.f32 $0xffff, v3, v3;
	v4 =	vmax.f32 v4, v5  }
0x7c: {  	v8 =	vld [tilespmem:s26+$0x50];
	[tilespmem:s25+$0xFFFFFFB0] =	vst v2;
	(xrf1) =	vsort.ascd.msk.f32 $0xffff, v4, v4  }
0x7d: {  	v11 =	vld [tilespmem:s26+$0xFFFFFFC0];
	v2, _, _ =	vpop (xrf1);
	(xrf1) =	vsort.dscd.msk.f32 $0xffff, v13, v13  }
0x7e: {  	v6 =	vld [tilespmem:s26+$0xFFFFFFD0];
	v4, _, _ =	vpop (xrf1);
	(xrf1) =	vsort.dscd.msk.f32 $0xffff, v18, v18  }
0x7f: {  	v2 =	vmax.f32 v4, v2;
	(xrf1) =	vsort.ascd.msk.f32 $0xffff, v27, v27;
	v4 =	vld [tilespmem:s26+$0xFFFFFFE0]  }
0x80: {  	v5, _, _ =	vpop (xrf1);
	(xrf1) =	vsort.dscd.msk.f32 $0xffff, v2, v2;
	v2 =	vld [tilespmem:s26+$0xFFFFFFF0]  }
0x81: {  	v7, _, _ =	vpop (xrf1);
	(xrf1) =	vsort.ascd.msk.f32 $0xffff, v8, v8  }
0x82: {  	v24, _, _ =	vpop (xrf1);
	(xrf1) =	vsort.dscd.msk.f32 $0xffff, v11, v11  }
0x83: {  	v26, _, _ =	vpop (xrf1);
	(xrf1) =	vsort.ascd.msk.f32 $0xffff, v6, v6  }
0x84: {  	v30, _, _ =	vpop (xrf1);
	(xrf1) =	vsort.dscd.msk.f32 $0xffff, v4, v4  }
0x85: {  	v31, _, _ =	vpop (xrf1);
	(xrf1) =	vsort.ascd.msk.f32 $0xffff, v2, v2  }
0x86: {  	v38, _, _ =	vpop (xrf1)  }
0x87: {  	v39, _, _ =	vpop (xrf1)  }
0x88: {  	v5 =	vmax.f32 v7, v5;
	v40, _, _ =	vpop (xrf1)  }
0x89: {  	v24 =	vmax.f32 v30, v24;
	(xrf1) =	vsort.dscd.msk.f32 $0xffff, v5, v5;
	v41, _, _ =	vpop (xrf1)  }
0x8a: {  	v7 =	vmax.f32 v38, v26;
	v5 =	vld [tilespmem:s26+$0x70];
	v26 =	vperm.xlane v39, v0;
	v53, _, _ =	vpop (xrf1)  }
0x8b: {  	(xrf1) =	vsort.dscd.msk.f32 $0xffff, v7, v7;
	v7 =	vld [tilespmem:s26+$0x60];
	v30, _, _ =	vpop (xrf1)  }
0x8c: {  	vm14 =	vge.f32 v21, v26;
	(xrf1) =	vsort.ascd.msk.f32 $0xffff, v24, v24;
	v24, _, _ =	vpop (xrf1)  }
0x8d: {  	vm15 =	vge.f32 v19, v26;
	v54 =	vsel vm14, $0x3F800000, v1;
	v38 =	vmax.f32 v40, v53;
	v55, _, _ =	vpop (xrf1)  }
0x8e: {  	s26 =	simm.s32 $0x8280;
	vm4 =	vge.f32 v14, v26;
	v21 =	vmul.f32 v54, v21;
	(xrf1) =	vsort.dscd.msk.f32 $0xffff, v38, v38;
	v56, _, _ =	vpop (xrf1)  }
0x8f: {  	s28 =	simm.s32 $0x10280;
	vm5 =	vge.f32 v9, v26;
	v57 =	vsel vm15, $0x3F800000, v1;
	[tilespmem:s26+$0x0] =	vst v54;
	(xrf1) =	vsort.ascd.msk.f32 $0xffff, v5, v5;
	v42, _, _ =	vpop (xrf1)  }
0x90: {  	v19 =	vmul.f32 v57, v19;
	v30 =	vmax.f32 v30, v31;
	[tilespmem:s28+$0x0] =	vst v21;
	(xrf1) =	vsort.dscd.msk.f32 $0xffff, v7, v7;
	v43, _, _ =	vpop (xrf1)  }
0x91: {  	s1 =	simm.s32 $0x480;
	v60 =	vsel vm5, $0x3F800000, v1;
	v21 =	vsel vm4, $0x3F800000, v1;
	[tilespmem:s26+$0x10] =	vst v57;
	v31 =	vperm.xlane v56, v0;
	v58, _, _ =	vpop (xrf1)  }
0x92: {  	v9 =	vmul.f32 v60, v9;
	v14 =	vmul.f32 v21, v14;
	[tilespmem:s28+$0x10] =	vst v19;
	v19 =	vld [tilespmem:s1+$0x30];
	v59, _, _ =	vpop (xrf1)  }
0x93: {  	v26 =	vmax.f32 v24, v55;
	v24 =	vld [tilespmem:s1+$0x10];
	(xrf1) =	vsort.ascd.msk.f32 $0xffff, v30, v30;
	vm6 =	vge.f32 v25, v31;
	v30, _, _ =	vpop (xrf1)  }
0x94: {  	[tilespmem:s26+$0x20] =	vst v21;
	v21 =	vld [tilespmem:s1+$0x20];
	(xrf1) =	vsort.dscd.msk.f32 $0xffff, v26, v26;
	v26 =	vmax.f32 v59, v30;
	v30 =	vsel vm6, $0x3F800000, v1  }
0x95: {  	[tilespmem:s28+$0x20] =	vst v14;
	v14 =	vld [tilespmem:s1+$0xFFFFFFB0];
	v39 =	vmax.f32 v43, v58;
	(xrf1) =	vsort.ascd.msk.f32 $0xffff, v26, v26;
	v25 =	vmul.f32 v30, v25  }
0x96: {  	vm7 =	vge.f32 v23, v31;
	[tilespmem:s26+$0x30] =	vst v60;
	v26 =	vld [tilespmem:s1+$0x0];
	(xrf1) =	vsort.dscd.msk.f32 $0xffff, v39, v39  }
0x97: {  	vm8 =	vge.f32 v22, v31;
	vm9 =	vge.f32 v10, v31;
	[tilespmem:s28+$0x30] =	vst v9;
	v61, _, _ =	vpop (xrf1);
	(xrf1) =	vsort.ascd.msk.f32 $0xffff, v19, v19  }
0x98: {  	[tilespmem:s26+$0xFFFFFF80] =	vst v30;
	v30 =	vsel vm7, $0x3F800000, v1;
	v38 =	vperm.xlane v61, v0;
	(xrf1) =	vsort.ascd.msk.f32 $0xffff, v24, v24  }
0x99: {  	v62 =	vsel vm8, $0x3F800000, v1;
	v23 =	vmul.f32 v30, v23;
	[tilespmem:s28+$0xFFFFFF80] =	vst v25;
	v25, _, _ =	vpop (xrf1);
	(xrf1) =	vsort.dscd.msk.f32 $0xffff, v21, v21  }
0x9a: {  	v9 =	vld [tilespmem:s30+$0x40];
	vm10 =	vge.f32 v29, v38;
	[tilespmem:s26+$0xFFFFFF90] =	vst v30;
	v30 =	vmul.f32 v62, v22;
	v22, _, _ =	vpop (xrf1);
	(xrf1) =	vsort.ascd.msk.f32 $0xffff, v14, v14  }
0x9b: {  	v63 =	vsel vm10, $0x3F800000, v1;
	[tilespmem:s28+$0xFFFFFF90] =	vst v23;
	v22 =	vmax.f32 v25, v22;
	(xrf1) =	vsort.dscd.msk.f32 $0xffff, v26, v26  }
0x9c: {  	v31 =	vsel vm9, $0x3F800000, v1;
	v23 =	vld [tilespmem:s1+$0xFFFFFFA0];
	[tilespmem:s22+$0xFFFFFFC0] =	vst v63;
	v25, _, _ =	vpop (xrf1);
	(xrf1) =	vsort.dscd.msk.f32 $0xffff, v22, v22  }
0x9d: {  	v45 =	vmax.f32 v41, v42;
	v46 =	vmul.f32 v31, v10;
	[tilespmem:s26+$0xFFFFFFA0] =	vst v62;
	v47 =	vperm.xlane v25, v0;
	v25 =	vld [tilespmem:s1+$0xFFFFFF80];
	v10, _, _ =	vpop (xrf1)  }
0x9e: {  	vm11 =	vge.f32 v28, v38;
	vm2 =	vge.f32 v36, v38;
	[tilespmem:s28+$0xFFFFFFA0] =	vst v30;
	v22 =	vld [tilespmem:s1+$0xFFFFFF90];
	v30, _, _ =	vpop (xrf1);
	(xrf1) =	vsort.dscd.msk.f32 $0xffff, v45, v45  }
0x9f: {  	[tilespmem:s26+$0xFFFFFFB0] =	vst v31;
	v31 =	vmul.f32 v63, v29;
	(xrf1) =	vsort.dscd.msk.f32 $0xffff, v9, v9;
	v30 =	vmax.f32 v30, v10  }
0xa0: {  	vm13 =	vge.f32 v32, v38;
	v50 =	vsel vm11, $0x3F800000, v1;
	[tilespmem:s28+$0xFFFFFFB0] =	vst v46;
	v10 =	vld [tilespmem:s30+$0x50];
	(xrf1) =	vsort.ascd.msk.f32 $0xffff, v30, v30  }
0xa1: {  	v53 =	vsel vm2, $0x3F800000, v1;
	vm12 =	vge.f32 v33, v47;
	v49, _, _ =	vpop (xrf1);
	v29 =	vld [tilespmem:s30+$0xFFFFFFC0];
	[tilespmem:s23+$0xFFFFFFC0] =	vst v31;
	(xrf1) =	vsort.dscd.msk.f32 $0xffff, v23, v23  }
0xa2: {  	v28 =	vmul.f32 v50, v28;
	v48 =	vsel vm12, $0x3F800000, v1;
	v51, _, _ =	vpop (xrf1);
	v30 =	vld [tilespmem:s30+$0xFFFFFFD0];
	[tilespmem:s22+$0xFFFFFFD0] =	vst v50;
	(xrf1) =	vsort.dscd.msk.f32 $0xffff, v25, v25  }
0xa3: {  	v36 =	vmul.f32 v53, v36;
	v31 =	vld [tilespmem:s30+$0xFFFFFFE0];
	[tilespmem:s22+$0x40] =	vst v48;
	v38 =	vmax.f32 v51, v49;
	(xrf1) =	vsort.ascd.msk.f32 $0xffff, v22, v22;
	v52, _, _ =	vpop (xrf1)  }
0xa4: {  	vm14 =	vge.f32 v34, v47;
	vm15 =	vge.f32 v37, v47;
	[tilespmem:s23+$0xFFFFFFD0] =	vst v28;
	v28 =	vld [tilespmem:s30+$0xFFFFFFF0];
	(xrf1) =	vsort.dscd.msk.f32 $0xffff, v38, v38;
	v54, _, _ =	vpop (xrf1)  }
0xa5: {  	vm3 =	vge.f32 v35, v47;
	v33 =	vmul.f32 v48, v33;
	[tilespmem:s22+$0xFFFFFFE0] =	vst v53;
	(xrf1) =	vsort.ascd.msk.f32 $0xffff, v10, v10;
	v55, _, _ =	vpop (xrf1)  }
0xa6: {  	v56 =	vsel vm14, $0x3F800000, v1;
	v57 =	vsel vm15, $0x3F800000, v1;
	[tilespmem:s23+$0xFFFFFFE0] =	vst v36;
	(xrf1) =	vsort.dscd.msk.f32 $0xffff, v29, v29;
	v58, _, _ =	vpop (xrf1)  }
0xa7: {  	v44 =	vmul.f32 v56, v34;
	[tilespmem:s23+$0x40] =	vst v33;
	v36 =	vsel vm3, $0x3F800000, v1;
	v59, _, _ =	vpop (xrf1);
	(xrf1) =	vsort.ascd.msk.f32 $0xffff, v30, v30  }
0xa8: {  	v45 =	vmul.f32 v57, v37;
	[tilespmem:s22+$0x50] =	vst v56;
	v34 =	vmul.f32 v36, v35;
	v40, _, _ =	vpop (xrf1);
	(xrf1) =	vsort.dscd.msk.f32 $0xffff, v31, v31  }
0xa9: {  	v35 =	vsel vm13, $0x3F800000, v1;
	[tilespmem:s23+$0x50] =	vst v44;
	v60 =	vmax.f32 v54, v52;
	v61, _, _ =	vpop (xrf1);
	(xrf1) =	vsort.ascd.msk.f32 $0xffff, v28, v28  }
0xaa: {  	s11 =	simm.s32 $0x8;
	v37 =	vmul.f32 v35, v32;
	[tilespmem:s22+$0x60] =	vst v57;
	v62 =	vmax.f32 v61, v58;
	v63, _, _ =	vpop (xrf1);
	(xrf1) =	vsort.dscd.msk.f32 $0xffff, v60, v60  }
0xab: {  	s31 =	simm.s32 $0x10380;
	s12 =	simm.s32 $0x580;
	s0 =	simm.s32 $0x8380;
	[tilespmem:s23+$0x60] =	vst v45;
	v38 =	vmax.f32 v59, v55;
	(xrf1) =	vsort.dscd.msk.f32 $0xffff, v62, v62;
	v41 =	vperm.xlane v63, v0  }
.LBB2_2:
0xac: {  	v42, _, _ =	vpop (xrf1);
	v33 =	vmov v29;
	v39 =	vmov v6  }
0xad: {  	s11 =	sadd.s32 $0x2, s11;
	[tilespmem:s22+$0x70] =	vst v36;
	v6 =	vmovc v30;
	v36 =	vmovc v4;
	v4 =	vmov v31;
	v32 =	vmov v2;
	v2 =	vmov v28  }
0xae: {  	p0 =	slt.u32 s11, $0x7E;
	vm0 =	vge.f32 v20, v41;
	vm2 =	vge.f32 v16, v41;
	vm1 =	vge.f32 v17, v41;
	v28, _, _ =	vpop (xrf1);
	[tilespmem:s23+$0x70] =	vst v34  }
0xaf: {  	(xrf1) =	vsort.ascd.msk.f32 $0xffff, v38, v38;
	v29 =	vsel vm0, $0x3F800000, v1;
	vm0 =	vge.f32 v15, v41;
	v38 =	vld [tilespmem:s30+$0x70];
	v30, _, _ =	vpop (xrf1);
	[tilespmem:s22+$0xFFFFFFF0] =	vst v35;
	s22 =	smov.u32 s24;
	s24 =	smov.u32 s26;
	s26 =	smov.u32 s0  }
0xb0: {  	v31, _, _ =	vpop (xrf1);
	v35 =	vmul.f32 v29, v20;
	v34 =	vld [tilespmem:s30+$0x60];
	v41 =	vmax.f32 v42, v30;
	[tilespmem:s23+$0xFFFFFFF0] =	vst v37;
	v20 =	vmov v26;
	s23 =	smov.u32 s25;
	s25 =	smov.u32 s28;
	s28 =	smov.u32 s31  }
0xb1: {  	s30 =	smov.u32 s29;
	s29 =	smov.u32 s1;
	s1 =	smov.u32 s12;
	v26, _, _ =	vpop (xrf1);
	[tilespmem:s0+$0x0] =	vst v29;
	v29 =	vsel vm2, $0x3F800000, v1;
	(xrf1) =	vsort.dscd.msk.f32 $0xffff, v41, v41  }
0xb2: {  	v30, _, _ =	vpop (xrf1);
	[tilespmem:s31+$0x0] =	vst v35;
	v35 =	vmul.f32 v29, v16;
	v16 =	vmov v24  }
0xb3: {  	v37 =	vsel vm1, $0x3F800000, v1;
	v24 =	vmax.f32 v26, v30;
	v26 =	vmax.f32 v31, v40;
	[tilespmem:s0+$0x10] =	vst v29;
	v30, _, _ =	vpop (xrf1)  }
0xb4: {  	v31 =	vmul.f32 v37, v17;
	v30 =	vperm.xlane v30, v0;
	[tilespmem:s31+$0x10] =	vst v35;
	v17, _, _ =	vpop (xrf1);
	(xrf1) =	vsort.ascd.msk.f32 $0xffff, v38, v38  }
0xb5: {  	v35 =	vld [tilespmem:s12+$0x30];
	[tilespmem:s0+$0x20] =	vst v37;
	v28 =	vmax.f32 v28, v17;
	v29, _, _ =	vpop (xrf1);
	(xrf1) =	vsort.dscd.msk.f32 $0xffff, v34, v34;
	v17 =	vmov v21  }
0xb6: {  	v21 =	vld [tilespmem:s12+$0x20];
	(xrf1) =	vsort.ascd.msk.f32 $0xffff, v26, v26;
	vm1 =	vge.f32 v18, v30;
	vm2 =	vge.f32 v27, v30;
	[tilespmem:s31+$0x20] =	vst v31;
	v26, _, _ =	vpop (xrf1)  }
0xb7: {  	v37 =	vsel vm0, $0x3F800000, v1;
	(xrf1) =	vsort.dscd.msk.f32 $0xffff, v24, v24;
	v31 =	vsel vm1, $0x3F800000, v1;
	vm1 =	vge.f32 v13, v30;
	v40, _, _ =	vpop (xrf1)  }
0xb8: {  	vm0 =	vge.f32 v12, v30;
	v24 =	vld [tilespmem:s12+$0x10];
	v41 =	vmul.f32 v31, v18;
	[tilespmem:s0+$0x30] =	vst v37;
	v30, _, _ =	vpop (xrf1);
	v18 =	vmov v25  }
0xb9: {  	v25 =	vsel vm2, $0x3F800000, v1;
	v42 =	vld [tilespmem:s12+$0xFFFFFFB0];
	[tilespmem:s0+$0xFFFFFF80] =	vst v31;
	v31 =	vmul.f32 v37, v15;
	v43 =	vmax.f32 v40, v30;
	v30, _, _ =	vpop (xrf1)  }
0xba: {  	v29 =	vmax.f32 v29, v26;
	v27 =	vmul.f32 v25, v27;
	v37 =	vld [tilespmem:s12+$0xFFFFFFA0];
	v40, _, _ =	vpop (xrf1);
	[tilespmem:s31+$0xFFFFFF80] =	vst v41;
	(xrf1) =	vsort.ascd.msk.f32 $0xffff, v43, v43  }
0xbb: {  	v15 =	vmovc v19;
	v26 =	vld [tilespmem:s12+$0x0];
	[tilespmem:s0+$0xFFFFFF90] =	vst v25;
	v25 =	vsel vm1, $0x3F800000, v1;
	(xrf1) =	vsort.dscd.msk.f32 $0xffff, v29, v29;
	v29 =	vperm.xlane v30, v0  }
0xbc: {  	v19 =	vmovc v35;
	(xrf1) =	vsort.ascd.msk.f32 $0xffff, v35, v35;
	[tilespmem:s31+$0xFFFFFF90] =	vst v27;
	v27 =	vmul.f32 v25, v13;
	v13 =	vmov v23  }
0xbd: {  	v30 =	vsel vm0, $0x3F800000, v1;
	(xrf1) =	vsort.ascd.msk.f32 $0xffff, v24, v24;
	v23, _, _ =	vpop (xrf1);
	[tilespmem:s0+$0xFFFFFFA0] =	vst v25;
	vm0 =	vge.f32 v11, v29  }
0xbe: {  	v35 =	vmul.f32 v30, v12;
	(xrf1) =	vsort.dscd.msk.f32 $0xffff, v21, v21;
	v23 =	vmax.f32 v40, v23;
	[tilespmem:s31+$0x30] =	vst v31  }
0xbf: {  	vm3 =	vge.f32 v39, v29;
	vm1 =	vge.f32 v36, v29;
	v43 =	vsel vm0, $0x3F800000, v1;
	(xrf1) =	vsort.ascd.msk.f32 $0xffff, v42, v42;
	v31 =	vld [tilespmem:s30+$0x40];
	v25, _, _ =	vpop (xrf1)  }
0xc0: {  	v11 =	vmul.f32 v43, v11;
	(xrf1) =	vsort.dscd.msk.f32 $0xffff, v26, v26;
	v40 =	vld [tilespmem:s30+$0x50];
	[tilespmem:s22+$0xFFFFFFC0] =	vst v43;
	v41 =	vperm.xlane v25, v0  }
0xc1: {  	v12 =	vmovc v14;
	s0 =	sadd.s32 $0x100, s0;
	vm0 =	vge.f32 v32, v29;
	v14 =	vmov v42;
	v25 =	vld [tilespmem:s12+$0xFFFFFF80];
	(xrf1) =	vsort.dscd.msk.f32 $0xffff, v23, v23;
	v23 =	vmov v37  }
0xc2: {  	s31 =	sadd.s32 $0x100, s31;
	v42 =	vld [tilespmem:s12+$0xFFFFFF90];
	[tilespmem:s28+$0xFFFFFFA0] =	vst v27;
	v27, _, _ =	vpop (xrf1);
	vm2 =	vge.f32 v3, v41;
	vm5 =	vge.f32 v8, v41;
	vm4 =	vge.f32 v7, v41  }
0xc3: {  	[tilespmem:s26+$0xFFFFFFB0] =	vst v30;
	v29, _, _ =	vpop (xrf1);
	(xrf1) =	vsort.dscd.msk.f32 $0xffff, v28, v28;
	v28 =	vsel vm2, $0x3F800000, v1;
	vm2 =	vge.f32 v5, v41  }
0xc4: {  	v30, _, _ =	vpop (xrf1);
	(xrf1) =	vsort.dscd.msk.f32 $0xffff, v31, v31;
	v27 =	vmax.f32 v29, v27;
	[tilespmem:s22+$0x40] =	vst v28;
	v41 =	vmul.f32 v28, v3  }
0xc5: {  	v3, _, _ =	vpop (xrf1);
	[tilespmem:s28+$0xFFFFFFB0] =	vst v35;
	(xrf1) =	vsort.ascd.msk.f32 $0xffff, v27, v27;
	v27 =	vsel vm3, $0x3F800000, v1;
	v35 =	vsel vm5, $0x3F800000, v1  }
0xc6: {  	(xrf1) =	vsort.dscd.msk.f32 $0xffff, v23, v37;
	v28 =	vmax.f32 v3, v30;
	v29 =	vld [tilespmem:s30+$0xFFFFFFC0];
	[tilespmem:s23+$0xFFFFFFC0] =	vst v11;
	v11 =	vmul.f32 v27, v39  }
0xc7: {  	v37 =	vmul.f32 v35, v8;
	v3 =	vmovc v9;
	v9 =	vmov v31;
	(xrf1) =	vsort.dscd.msk.f32 $0xffff, v25, v25;
	v30 =	vld [tilespmem:s30+$0xFFFFFFD0];
	[tilespmem:s22+$0xFFFFFFD0] =	vst v27  }
0xc8: {  	v39 =	vsel vm4, $0x3F800000, v1;
	(xrf1) =	vsort.ascd.msk.f32 $0xffff, v42, v42;
	v31 =	vld [tilespmem:s30+$0xFFFFFFE0];
	v8, _, _ =	vpop (xrf1);
	[tilespmem:s23+$0xFFFFFFD0] =	vst v11;
	v11 =	vsel vm1, $0x3F800000, v1  }
0xc9: {  	v44 =	vmul.f32 v39, v7;
	v7 =	vmov v34;
	(xrf1) =	vsort.dscd.msk.f32 $0xffff, v28, v28;
	v28 =	vld [tilespmem:s30+$0xFFFFFFF0];
	v27, _, _ =	vpop (xrf1);
	v43 =	vmul.f32 v11, v36  }
0xca: {  	v36 =	vsel vm2, $0x3F800000, v1;
	v45, _, _ =	vpop (xrf1);
	(xrf1) =	vsort.ascd.msk.f32 $0xffff, v40, v40;
	v46 =	vmax.f32 v27, v8;
	[tilespmem:s22+$0xFFFFFFE0] =	vst v11  }
0xcb: {  	v34 =	vmul.f32 v36, v5;
	v5 =	vmov v38;
	v47, _, _ =	vpop (xrf1);
	(xrf1) =	vsort.dscd.msk.f32 $0xffff, v29, v29;
	[tilespmem:s23+$0xFFFFFFE0] =	vst v43  }
.Ltmp0:
0xcc: {  	v8 =	vmov v10;
	v10 =	vmov v40;
	v11, _, _ =	vpop (xrf1);
	(xrf1) =	vsort.ascd.msk.f32 $0xffff, v30, v30;
	[tilespmem:s23+$0x40] =	vst v41;
	(pc) =	sbr.rel @p0 .LBB2_2-.Ltmp0, $4  }
0xcd: {  	v27 =	vmov v22;
	v38 =	vmax.f32 v11, v45;
	v40, _, _ =	vpop (xrf1);
	(xrf1) =	vsort.dscd.msk.f32 $0xffff, v31, v31;
	[tilespmem:s22+$0x50] =	vst v35  }
0xce: {  	v22 =	vmov v42;
	v11 =	vmov v33;
	v35, _, _ =	vpop (xrf1);
	(xrf1) =	vsort.ascd.msk.f32 $0xffff, v28, v28;
	[tilespmem:s23+$0x50] =	vst v37  }
0xcf: {  	v33 =	vmax.f32 v35, v47;
	v37, _, _ =	vpop (xrf1);
	(xrf1) =	vsort.dscd.msk.f32 $0xffff, v46, v46;
	v35 =	vsel vm0, $0x3F800000, v1;
	[tilespmem:s22+$0x60] =	vst v39  }
0xd0: {  	s12 =	sadd.s32 $0x100, s12;
	(xrf1) =	vsort.dscd.msk.f32 $0xffff, v33, v33;
	v41 =	vperm.xlane v37, v0;
	v37 =	vmul.f32 v35, v32;
	[tilespmem:s23+$0x60] =	vst v44  }
0xd1: {  	_ = 	snop  }
0xd2: {  	v39, _, _ =	vpop (xrf1);
	v32 =	vld [tilespmem:s30+$0x70];
	vm0 =	vge.f32 v20, v41  }
0xd3: {  	v33 =	vld [tilespmem:s30+$0x60];
	(xrf1) =	vsort.ascd.msk.f32 $0xffff, v38, v38;
	v42, _, _ =	vpop (xrf1);
	v62 =	vsel vm0, $0x3F800000, v1  }
0xd4: {  	v43, _, _ =	vpop (xrf1);
	vm0 =	vge.f32 v16, v41;
	v20 =	vmul.f32 v62, v20  }
0xd5: {  	v61 =	vmax.f32 v39, v43;
	v63, _, _ =	vpop (xrf1);
	[tilespmem:s0+$0x0] =	vst v62;
	v49 =	vsel vm0, $0x3F800000, v1  }
0xd6: {  	vm0 =	vge.f32 v17, v41;
	(xrf1) =	vsort.dscd.msk.f32 $0xffff, v61, v61;
	v48, _, _ =	vpop (xrf1);
	v16 =	vmul.f32 v49, v16;
	[tilespmem:s31+$0x0] =	vst v20  }
0xd7: {  	v50 =	vsel vm0, $0x3F800000, v1;
	(xrf1) =	vsort.ascd.msk.f32 $0xffff, v32, v32;
	v44, _, _ =	vpop (xrf1);
	[tilespmem:s0+$0x10] =	vst v49  }
0xd8: {  	(xrf1) =	vsort.dscd.msk.f32 $0xffff, v33, v33;
	v20, _, _ =	vpop (xrf1);
	[tilespmem:s31+$0x10] =	vst v16;
	v16 =	vmul.f32 v50, v17  }
0xd9: {  	v45, _, _ =	vpop (xrf1)  }
0xda: {  	v17, _, _ =	vpop (xrf1)  }
0xdb: {  	[tilespmem:s0+$0x20] =	vst v50;
	v51, _, _ =	vpop (xrf1)  }
0xdc: {  	[tilespmem:s31+$0x20] =	vst v16;
	v16, _, _ =	vpop (xrf1)  }
0xdd: {  	vm0 =	vge.f32 v15, v41;
	v54, _, _ =	vpop (xrf1)  }
0xde: {  	v39 =	vmax.f32 v63, v40;
	v52 =	vsel vm0, $0x3F800000, v1;
	v16 =	vmax.f32 v16, v54  }
0xdf: {  	v15 =	vmul.f32 v52, v15;
	v53 =	vmax.f32 v48, v44;
	(xrf1) =	vsort.ascd.msk.f32 $0xffff, v39, v39;
	v38, _, _ =	vpop (xrf1)  }
0xe0: {  	[tilespmem:s0+$0x30] =	vst v52;
	(xrf1) =	vsort.dscd.msk.f32 $0xffff, v53, v53;
	v55, _, _ =	vpop (xrf1)  }
0xe1: {  	v20 =	vperm.xlane v20, v0;
	[tilespmem:s31+$0x30] =	vst v15;
	(xrf1) =	vsort.ascd.msk.f32 $0xffff, v16, v16;
	v16, _, _ =	vpop (xrf1)  }
0xe2: {  	v15 =	vld [tilespmem:s29+$0x40];
	v16 =	vmax.f32 v55, v16  }
0xe3: {  	vm0 =	vge.f32 v18, v20;
	v17 =	vmax.f32 v17, v51  }
0xe4: {  	v56 =	vmax.f32 v42, v45;
	v57 =	vsel vm0, $0x3F800000, v1;
	(xrf1) =	vsort.dscd.msk.f32 $0xffff, v17, v17;
	v39, _, _ =	vpop (xrf1)  }
0xe5: {  	vm0 =	vge.f32 v27, v20;
	v17 =	vmul.f32 v57, v18;
	(xrf1) =	vsort.dscd.msk.f32 $0xffff, v16, v16;
	v16, _, _ =	vpop (xrf1)  }
0xe6: {  	vm1 =	vge.f32 v13, v20;
	[tilespmem:s0+$0xFFFFFF80] =	vst v57;
	v18 =	vsel vm0, $0x3F800000, v1;
	(xrf1) =	vsort.dscd.msk.f32 $0xffff, v56, v56;
	v58, _, _ =	vpop (xrf1)  }
0xe7: {  	[tilespmem:s31+$0xFFFFFF80] =	vst v17;
	v17 =	vmul.f32 v18, v27;
	(xrf1) =	vsort.dscd.msk.f32 $0xffff, v15, v15;
	v16 =	vmax.f32 v58, v16  }
0xe8: {  	vm0 =	vge.f32 v12, v20;
	[tilespmem:s0+$0xFFFFFF90] =	vst v18;
	v18 =	vsel vm1, $0x3F800000, v1;
	(xrf1) =	vsort.ascd.msk.f32 $0xffff, v16, v16  }
0xe9: {  	[tilespmem:s31+$0xFFFFFF90] =	vst v17;
	v13 =	vmul.f32 v18, v13;
	v16 =	vsel vm0, $0x3F800000, v1  }
0xea: {  	[tilespmem:s0+$0xFFFFFFA0] =	vst v18;
	v12 =	vmul.f32 v16, v12  }
0xeb: {  	[tilespmem:s31+$0xFFFFFFA0] =	vst v13  }
0xec: {  	[tilespmem:s0+$0xFFFFFFB0] =	vst v16  }
0xed: {  	v13 =	vld [tilespmem:s29+$0x50];
	[tilespmem:s31+$0xFFFFFFB0] =	vst v12  }
0xee: {  	v27 =	vld [tilespmem:s29+$0xFFFFFFC0];
	v12, _, _ =	vpop (xrf1)  }
0xef: {  	v20 =	vld [tilespmem:s29+$0xFFFFFFD0];
	v16, _, _ =	vpop (xrf1)  }
0xf0: {  	v17 =	vld [tilespmem:s29+$0xFFFFFFE0];
	v12 =	vmax.f32 v16, v12  }
0xf1: {  	v59, _, _ =	vpop (xrf1);
	(xrf1) =	vsort.dscd.msk.f32 $0xffff, v12, v12;
	v12 =	vld [tilespmem:s29+$0xFFFFFFF0]  }
0xf2: {  	v60, _, _ =	vpop (xrf1);
	(xrf1) =	vsort.ascd.msk.f32 $0xffff, v13, v13  }
0xf3: {  	v61, _, _ =	vpop (xrf1);
	(xrf1) =	vsort.dscd.msk.f32 $0xffff, v27, v27  }
0xf4: {  	v16 =	vld [tilespmem:s29+$0x70];
	v62, _, _ =	vpop (xrf1);
	(xrf1) =	vsort.ascd.msk.f32 $0xffff, v20, v20  }
0xf5: {  	v18 =	vld [tilespmem:s29+$0x60];
	v63, _, _ =	vpop (xrf1);
	(xrf1) =	vsort.dscd.msk.f32 $0xffff, v17, v17  }
0xf6: {  	v40 =	vmax.f32 v60, v59;
	(xrf1) =	vsort.ascd.msk.f32 $0xffff, v12, v12;
	v45, _, _ =	vpop (xrf1)  }
0xf7: {  	v46 =	vperm.xlane v61, v0;
	(xrf1) =	vsort.dscd.msk.f32 $0xffff, v40, v40;
	v41 =	vmax.f32 v62, v45  }
0xf8: {  	(xrf1) =	vsort.dscd.msk.f32 $0xffff, v41, v41  }
0xf9: {  	vm0 =	vge.f32 v26, v46;
	(xrf1) =	vsort.ascd.msk.f32 $0xffff, v16, v16  }
0xfa: {  	v47 =	vsel vm0, $0x3F800000, v1;
	vm0 =	vge.f32 v24, v46;
	(xrf1) =	vsort.dscd.msk.f32 $0xffff, v18, v18  }
0xfb: {  	s11 =	sadd.s32 $0x100, s0;
	v26 =	vmul.f32 v47, v26;
	v48 =	vsel vm0, $0x3F800000, v1  }
0xfc: {  	s12 =	sadd.s32 $0x100, s31;
	[tilespmem:s11+$0x0] =	vst v47;
	vm0 =	vge.f32 v21, v46;
	v24 =	vmul.f32 v48, v24  }
0xfd: {  	[tilespmem:s12+$0x0] =	vst v26;
	v26 =	vsel vm0, $0x3F800000, v1  }
0xfe: {  	[tilespmem:s11+$0x10] =	vst v48;
	v21 =	vmul.f32 v26, v21  }
0xff: {  	vm0 =	vge.f32 v19, v46;
	[tilespmem:s12+$0x10] =	vst v24;
	v49, _, _ =	vpop (xrf1)  }
0x100: {  	[tilespmem:s11+$0x20] =	vst v26;
	v26 =	vsel vm0, $0x3F800000, v1;
	v24, _, _ =	vpop (xrf1)  }
0x101: {  	[tilespmem:s12+$0x20] =	vst v21;
	v19 =	vmul.f32 v26, v19;
	v50, _, _ =	vpop (xrf1)  }
0x102: {  	[tilespmem:s11+$0x30] =	vst v26;
	v26 =	vperm.xlane v49, v0;
	v21, _, _ =	vpop (xrf1)  }
0x103: {  	[tilespmem:s12+$0x30] =	vst v19;
	v51, _, _ =	vpop (xrf1)  }
0x104: {  	v19 =	vld [tilespmem:s1+$0x40];
	vm0 =	vge.f32 v25, v26;
	v21 =	vmax.f32 v50, v21;
	v52, _, _ =	vpop (xrf1)  }
0x105: {  	v53 =	vsel vm0, $0x3F800000, v1;
	v40 =	vmax.f32 v51, v52;
	v42, _, _ =	vpop (xrf1)  }
0x106: {  	vm0 =	vge.f32 v22, v26;
	v25 =	vmul.f32 v53, v25;
	(xrf1) =	vsort.ascd.msk.f32 $0xffff, v40, v40;
	v54, _, _ =	vpop (xrf1)  }
0x107: {  	v24 =	vmax.f32 v63, v24;
	[tilespmem:s11+$0xFFFFFF80] =	vst v53;
	v55 =	vsel vm0, $0x3F800000, v1;
	(xrf1) =	vsort.dscd.msk.f32 $0xffff, v21, v21;
	v21, _, _ =	vpop (xrf1)  }
0x108: {  	vm1 =	vge.f32 v23, v26;
	v22 =	vmul.f32 v55, v22;
	[tilespmem:s12+$0xFFFFFF80] =	vst v25;
	(xrf1) =	vsort.dscd.msk.f32 $0xffff, v24, v24;
	v56, _, _ =	vpop (xrf1)  }
0x109: {  	[tilespmem:s11+$0xFFFFFF90] =	vst v55;
	v24 =	vsel vm1, $0x3F800000, v1;
	(xrf1) =	vsort.dscd.msk.f32 $0xffff, v19, v19;
	v21 =	vmax.f32 v56, v21  }
0x10a: {  	vm0 =	vge.f32 v14, v26;
	[tilespmem:s12+$0xFFFFFF90] =	vst v22;
	(xrf1) =	vsort.ascd.msk.f32 $0xffff, v21, v21;
	v21 =	vmul.f32 v24, v23  }
0x10b: {  	v22 =	vsel vm0, $0x3F800000, v1;
	[tilespmem:s11+$0xFFFFFFA0] =	vst v24  }
0x10c: {  	v14 =	vmul.f32 v22, v14;
	[tilespmem:s12+$0xFFFFFFA0] =	vst v21  }
0x10d: {  	[tilespmem:s11+$0xFFFFFFB0] =	vst v22  }
0x10e: {  	v21 =	vld [tilespmem:s1+$0x50];
	[tilespmem:s12+$0xFFFFFFB0] =	vst v14  }
0x10f: {  	v26 =	vld [tilespmem:s1+$0xFFFFFFC0]  }
0x110: {  	v25 =	vld [tilespmem:s1+$0xFFFFFFD0]  }
0x111: {  	v24 =	vld [tilespmem:s1+$0xFFFFFFE0]  }
0x112: {  	v14 =	vld [tilespmem:s1+$0xFFFFFFF0]  }
0x113: {  	(xrf1) =	vsort.ascd.msk.f32 $0xffff, v21, v21  }
0x114: {  	v57, _, _ =	vpop (xrf1);
	(xrf1) =	vsort.dscd.msk.f32 $0xffff, v26, v26  }
0x115: {  	v58, _, _ =	vpop (xrf1);
	(xrf1) =	vsort.ascd.msk.f32 $0xffff, v25, v25  }
0x116: {  	v22 =	vld [tilespmem:s1+$0x70];
	v59, _, _ =	vpop (xrf1);
	(xrf1) =	vsort.dscd.msk.f32 $0xffff, v24, v24  }
0x117: {  	v63 =	vperm.xlane v38, v0;
	v23 =	vld [tilespmem:s1+$0x60];
	v60, _, _ =	vpop (xrf1);
	(xrf1) =	vsort.ascd.msk.f32 $0xffff, v14, v14  }
0x118: {  	v41 =	vmax.f32 v58, v57;
	v61, _, _ =	vpop (xrf1)  }
0x119: {  	[tilespmem:s22+$0x70] =	vst v36;
	vm0 =	vge.f32 v11, v63;
	(xrf1) =	vsort.dscd.msk.f32 $0xffff, v41, v41;
	v62 =	vmax.f32 v59, v61  }
0x11a: {  	[tilespmem:s22+$0xFFFFFFF0] =	vst v35;
	v43 =	vsel vm0, $0x3F800000, v1;
	v41 =	vperm.xlane v39, v0;
	(xrf1) =	vsort.dscd.msk.f32 $0xffff, v62, v62  }
0x11b: {  	[tilespmem:s23+$0x70] =	vst v34;
	vm1 =	vge.f32 v6, v63;
	v11 =	vmul.f32 v43, v11;
	(xrf1) =	vsort.ascd.msk.f32 $0xffff, v22, v22  }
0x11c: {  	v46 =	vsel vm1, $0x3F800000, v1;
	[tilespmem:s24+$0xFFFFFFC0] =	vst v43;
	vm0 =	vge.f32 v3, v41;
	(xrf1) =	vsort.dscd.msk.f32 $0xffff, v23, v23  }
0x11d: {  	v6 =	vmul.f32 v46, v6;
	[tilespmem:s25+$0xFFFFFFC0] =	vst v11;
	v44 =	vsel vm0, $0x3F800000, v1;
	vm0 =	vge.f32 v4, v63  }
0x11e: {  	[tilespmem:s24+$0xFFFFFFD0] =	vst v46;
	v11 =	vsel vm0, $0x3F800000, v1  }
0x11f: {  	[tilespmem:s25+$0xFFFFFFD0] =	vst v6;
	v4 =	vmul.f32 v11, v4  }
0x120: {  	[tilespmem:s24+$0x40] =	vst v44;
	v3 =	vmul.f32 v44, v3  }
0x121: {  	vm0 =	vge.f32 v8, v41;
	[tilespmem:s24+$0xFFFFFFE0] =	vst v11;
	v6, _, _ =	vpop (xrf1)  }
0x122: {  	v47 =	vsel vm0, $0x3F800000, v1;
	[tilespmem:s25+$0x40] =	vst v3;
	v11, _, _ =	vpop (xrf1)  }
0x123: {  	vm0 =	vge.f32 v7, v41;
	v8 =	vmul.f32 v47, v8;
	[tilespmem:s25+$0xFFFFFFE0] =	vst v4;
	v4, _, _ =	vpop (xrf1)  }
0x124: {  	v48 =	vsel vm0, $0x3F800000, v1;
	vm0 =	vge.f32 v2, v63;
	[tilespmem:s24+$0x50] =	vst v47;
	v3, _, _ =	vpop (xrf1)  }
0x125: {  	v51 =	vsel vm0, $0x3F800000, v1;
	[tilespmem:s25+$0x50] =	vst v8;
	v49, _, _ =	vpop (xrf1)  }
0x126: {  	v7 =	vmul.f32 v48, v7;
	[tilespmem:s24+$0xFFFFFFF0] =	vst v51;
	v3 =	vmax.f32 v3, v49  }
0x127: {  	vm1 =	vge.f32 v5, v41;
	v2 =	vmul.f32 v51, v2;
	[tilespmem:s24+$0x60] =	vst v48;
	v4 =	vmax.f32 v11, v4;
	v8, _, _ =	vpop (xrf1)  }
0x128: {  	v50 =	vsel vm1, $0x3F800000, v1;
	[tilespmem:s25+$0x60] =	vst v7;
	v7 =	vperm.xlane v42, v0;
	v52, _, _ =	vpop (xrf1)  }
0x129: {  	v5 =	vmul.f32 v50, v5;
	[tilespmem:s25+$0xFFFFFFF0] =	vst v2;
	(xrf1) =	vsort.ascd.msk.f32 $0xffff, v3, v3;
	v3, _, _ =	vpop (xrf1)  }
0x12a: {  	v6 =	vmax.f32 v60, v6;
	[tilespmem:s24+$0x70] =	vst v50;
	vm0 =	vge.f32 v29, v7;
	(xrf1) =	vsort.dscd.msk.f32 $0xffff, v4, v4;
	v4, _, _ =	vpop (xrf1)  }
0x12b: {  	[tilespmem:s25+$0x70] =	vst v5;
	v2 =	vsel vm0, $0x3F800000, v1;
	(xrf1) =	vsort.dscd.msk.f32 $0xffff, v6, v6;
	v3 =	vmax.f32 v4, v3  }
0x12c: {  	v5 =	vperm.xlane v54, v0;
	[tilespmem:s26+$0xFFFFFFC0] =	vst v2;
	v2 =	vmul.f32 v2, v29;
	(xrf1) =	vsort.ascd.msk.f32 $0xffff, v3, v3  }
0x12d: {  	[tilespmem:s23+$0xFFFFFFF0] =	vst v37;
	vm1 =	vge.f32 v30, v7  }
0x12e: {  	vm0 =	vge.f32 v9, v5;
	[tilespmem:s28+$0xFFFFFFC0] =	vst v2;
	v4 =	vsel vm1, $0x3F800000, v1  }
0x12f: {  	v3 =	vsel vm0, $0x3F800000, v1;
	vm0 =	vge.f32 v31, v7;
	v2 =	vmul.f32 v4, v30;
	[tilespmem:s26+$0xFFFFFFD0] =	vst v4  }
0x130: {  	[tilespmem:s26+$0x40] =	vst v3;
	v4 =	vsel vm0, $0x3F800000, v1  }
0x131: {  	vm0 =	vge.f32 v10, v5;
	[tilespmem:s28+$0xFFFFFFD0] =	vst v2;
	v2 =	vmul.f32 v4, v31  }
0x132: {  	v3 =	vmul.f32 v3, v9;
	[tilespmem:s26+$0xFFFFFFE0] =	vst v4;
	v4 =	vsel vm0, $0x3F800000, v1  }
0x133: {  	vm0 =	vge.f32 v33, v5;
	[tilespmem:s28+$0xFFFFFFE0] =	vst v2;
	v2 =	vmul.f32 v4, v10  }
0x134: {  	[tilespmem:s28+$0x40] =	vst v3;
	v3 =	vsel vm0, $0x3F800000, v1  }
0x135: {  	[tilespmem:s26+$0x50] =	vst v4;
	v4 =	vmul.f32 v3, v33  }
0x136: {  	vm0 =	vge.f32 v32, v5;
	[tilespmem:s28+$0x50] =	vst v2  }
0x137: {  	v5 =	vsel vm0, $0x3F800000, v1;
	[tilespmem:s26+$0x60] =	vst v3;
	v2, _, _ =	vpop (xrf1)  }
0x138: {  	v6 =	vmul.f32 v5, v32;
	[tilespmem:s28+$0x60] =	vst v4;
	v3, _, _ =	vpop (xrf1)  }
0x139: {  	[tilespmem:s26+$0x70] =	vst v5;
	v5 =	vperm.xlane v8, v0;
	v4, _, _ =	vpop (xrf1)  }
0x13a: {  	vm1 =	vge.f32 v28, v7;
	[tilespmem:s28+$0x70] =	vst v6;
	v6 =	vperm.xlane v52, v0;
	v2 =	vmax.f32 v3, v2;
	v3, _, _ =	vpop (xrf1)  }
0x13b: {  	v7 =	vsel vm1, $0x3F800000, v1;
	vm0 =	vge.f32 v27, v5;
	(xrf1) =	vsort.dscd.msk.f32 $0xffff, v2, v2;
	v2 =	vmax.f32 v4, v3  }
0x13c: {  	[tilespmem:s26+$0xFFFFFFF0] =	vst v7;
	(xrf1) =	vsort.dscd.msk.f32 $0xffff, v2, v2;
	v2 =	vsel vm0, $0x3F800000, v1;
	vm0 =	vge.f32 v15, v6  }
0x13d: {  	[tilespmem:s0+$0xFFFFFFC0] =	vst v2;
	v2 =	vmul.f32 v2, v27;
	v3 =	vsel vm0, $0x3F800000, v1  }
0x13e: {  	vm1 =	vge.f32 v20, v5;
	[tilespmem:s0+$0x40] =	vst v3  }
0x13f: {  	v4 =	vsel vm1, $0x3F800000, v1;
	v3 =	vmul.f32 v3, v15;
	[tilespmem:s31+$0xFFFFFFC0] =	vst v2  }
0x140: {  	vm0 =	vge.f32 v17, v5;
	v2 =	vmul.f32 v4, v20;
	[tilespmem:s0+$0xFFFFFFD0] =	vst v4  }
0x141: {  	v4 =	vsel vm0, $0x3F800000, v1;
	[tilespmem:s31+$0x40] =	vst v3  }
0x142: {  	vm0 =	vge.f32 v13, v6;
	[tilespmem:s31+$0xFFFFFFD0] =	vst v2;
	v2 =	vmul.f32 v4, v17  }
0x143: {  	[tilespmem:s0+$0xFFFFFFE0] =	vst v4;
	v4 =	vsel vm0, $0x3F800000, v1;
	vm0 =	vge.f32 v18, v6  }
0x144: {  	v9 =	vmul.f32 v7, v28;
	[tilespmem:s31+$0xFFFFFFE0] =	vst v2;
	v3 =	vsel vm0, $0x3F800000, v1  }
0x145: {  	v2 =	vmul.f32 v4, v13;
	[tilespmem:s0+$0x50] =	vst v4;
	v4 =	vmul.f32 v3, v18  }
0x146: {  	[tilespmem:s28+$0xFFFFFFF0] =	vst v9  }
0x147: {  	vm0 =	vge.f32 v16, v6;
	[tilespmem:s31+$0x50] =	vst v2  }
0x148: {  	v2 =	vsel vm0, $0x3F800000, v1;
	[tilespmem:s0+$0x60] =	vst v3  }
0x149: {  	vm0 =	vge.f32 v12, v5;
	v3 =	vmul.f32 v2, v16;
	[tilespmem:s31+$0x60] =	vst v4;
	v4, _, _ =	vpop (xrf1)  }
0x14a: {  	v5 =	vsel vm0, $0x3F800000, v1;
	[tilespmem:s0+$0x70] =	vst v2;
	v2 =	vperm.xlane v4, v0;
	v4, _, _ =	vpop (xrf1)  }
0x14b: {  	v6 =	vmul.f32 v5, v12;
	[tilespmem:s31+$0x70] =	vst v3;
	v3 =	vperm.xlane v4, v0  }
0x14c: {  	[tilespmem:s0+$0xFFFFFFF0] =	vst v5;
	vm0 =	vge.f32 v26, v2  }
0x14d: {  	[tilespmem:s31+$0xFFFFFFF0] =	vst v6;
	v4 =	vsel vm0, $0x3F800000, v1;
	vm0 =	vge.f32 v19, v3  }
0x14e: {  	vm1 =	vge.f32 v25, v2;
	[tilespmem:s11+$0xFFFFFFC0] =	vst v4;
	v4 =	vmul.f32 v4, v26;
	v5 =	vsel vm0, $0x3F800000, v1  }
0x14f: {  	v6 =	vsel vm1, $0x3F800000, v1;
	[tilespmem:s11+$0x40] =	vst v5  }
0x150: {  	[tilespmem:s12+$0xFFFFFFC0] =	vst v4;
	v4 =	vmul.f32 v6, v25  }
0x151: {  	vm0 =	vge.f32 v24, v2;
	v5 =	vmul.f32 v5, v19;
	[tilespmem:s11+$0xFFFFFFD0] =	vst v6  }
0x152: {  	v6 =	vsel vm0, $0x3F800000, v1;
	[tilespmem:s12+$0xFFFFFFD0] =	vst v4  }
0x153: {  	vm0 =	vge.f32 v21, v3;
	v4 =	vmul.f32 v6, v24;
	[tilespmem:s12+$0x40] =	vst v5  }
0x154: {  	[tilespmem:s11+$0xFFFFFFE0] =	vst v6;
	v6 =	vsel vm0, $0x3F800000, v1  }
0x155: {  	vm0 =	vge.f32 v23, v3;
	[tilespmem:s12+$0xFFFFFFE0] =	vst v4;
	v4 =	vmul.f32 v6, v21  }
0x156: {  	v5 =	vsel vm0, $0x3F800000, v1;
	[tilespmem:s11+$0x50] =	vst v6  }
0x157: {  	vm0 =	vge.f32 v22, v3;
	v3 =	vmul.f32 v5, v23;
	[tilespmem:s12+$0x50] =	vst v4  }
0x158: {  	[tilespmem:s11+$0x60] =	vst v5  }
0x159: {  	v4 =	vsel vm0, $0x3F800000, v1;
	vm0 =	vge.f32 v14, v2;
	[tilespmem:s12+$0x60] =	vst v3  }
0x15a: {  	v2 =	vmul.f32 v4, v22;
	v3 =	vsel vm0, $0x3F800000, v1;
	[tilespmem:s11+$0x70] =	vst v4  }
0x15b: {  	v4 =	vmul.f32 v3, v14;
	[tilespmem:s11+$0xFFFFFFF0] =	vst v3  }
0x15c: {  	[tilespmem:s12+$0x70] =	vst v2  }
0x15d: {  	s30 =	simm.s32 $0x0;
	s31 =	simm.s32 $0x8000;
	[tilespmem:s12+$0xFFFFFFF0] =	vst v4  }
0x15e: {  	[hbm4b:s5+s30] =	stream.linear.scatter [tilespmem:s31], [sflag:$0x3], $0x4000, $0x38;
	[tilespmem:$0x18000] =	vst v63  }
0x15f: {  	_ = 	snop  }
0x160: {  	[hbm4b:s6+s30] =	stream.linear.scatter [tilespmem:s13], [sflag:$0x5], $0x4000, $0x38;
	[tilespmem:$0x18000] =	vst v63  }
0x161: {  	_ =	swait.ge [sflag:s14], $0x4000  }
0x162: {  	[sflag:s14] =	ssyncset.done $0x0  }
0x163: {  	s1 =	simm.s32 $0x0;
	[sflag:s14] =	ssyncadd.s32 $0xFFFFC000  }
0x164: {  	v19 =	vld [tilespmem:s1+$0x40B0]  }
0x165: {  	v11 =	vld [tilespmem:s1+$0x4070]  }
0x166: {  	v14 =	vld [tilespmem:s1+$0x40A0]  }
0x167: {  	v25 =	vld [tilespmem:s1+$0x40D0]  }
0x168: {  	v12 =	vld [tilespmem:s1+$0x4050]  }
0x169: {  	v26 =	vld [tilespmem:s1+$0x40F0];
	(xrf1) =	vsort.ascd.msk.f32 $0xffff, v19, v19  }
0x16a: {  	v32 =	vld [tilespmem:s1+$0x4030];
	(xrf1) =	vsort.ascd.msk.f32 $0xffff, v11, v11  }
0x16b: {  	v16 =	vld [tilespmem:s1+$0x4080];
	(xrf1) =	vsort.dscd.msk.f32 $0xffff, v14, v14  }
0x16c: {  	v31 =	vld [tilespmem:s1+$0x40E0];
	(xrf1) =	vsort.ascd.msk.f32 $0xffff, v25, v25  }
0x16d: {  	v27 =	vld [tilespmem:s1+$0x4040];
	(xrf1) =	vsort.ascd.msk.f32 $0xffff, v12, v12  }
0x16e: {  	v20 =	vld [tilespmem:s1+$0x4090];
	(xrf1) =	vsort.ascd.msk.f32 $0xffff, v26, v26  }
0x16f: {  	(xrf1) =	vsort.ascd.msk.f32 $0xffff, v32, v32  }
0x170: {  	(xrf1) =	vsort.dscd.msk.f32 $0xffff, v16, v16  }
0x171: {  	(xrf1) =	vsort.dscd.msk.f32 $0xffff, v31, v31  }
0x172: {  	v37 =	vld [tilespmem:s1+$0x4060];
	(xrf1) =	vsort.dscd.msk.f32 $0xffff, v27, v27  }
0x173: {  	v34 =	vld [tilespmem:s1+$0x40C0];
	(xrf1) =	vsort.ascd.msk.f32 $0xffff, v20, v20  }
0x174: {  	v36 =	vld [tilespmem:s1+$0x4000]  }
0x175: {  	v23 =	vld [tilespmem:s1+$0x4020]  }
0x176: {  	v38 =	vld [tilespmem:s1+$0x4010]  }
0x177: {  	(xrf1) =	vsort.dscd.msk.f32 $0xffff, v37, v37;
	v2, _, _ =	vpop (xrf1)  }
0x178: {  	(xrf1) =	vsort.dscd.msk.f32 $0xffff, v34, v34;
	v3, _, _ =	vpop (xrf1)  }
0x179: {  	(xrf1) =	vsort.dscd.msk.f32 $0xffff, v36, v36;
	v4, _, _ =	vpop (xrf1)  }
0x17a: {  	(xrf1) =	vsort.dscd.msk.f32 $0xffff, v23, v23;
	v5, _, _ =	vpop (xrf1)  }
0x17b: {  	(xrf1) =	vsort.ascd.msk.f32 $0xffff, v38, v38;
	v6, _, _ =	vpop (xrf1)  }
0x17c: {  	v7, _, _ =	vpop (xrf1)  }
0x17d: {  	v8, _, _ =	vpop (xrf1)  }
0x17e: {  	v9, _, _ =	vpop (xrf1)  }
0x17f: {  	v10, _, _ =	vpop (xrf1)  }
0x180: {  	v13, _, _ =	vpop (xrf1)  }
0x181: {  	v2 =	vmax.f32 v4, v2;
	v4, _, _ =	vpop (xrf1)  }
0x182: {  	(xrf1) =	vsort.ascd.msk.f32 $0xffff, v2, v2;
	v2 =	vmax.f32 v9, v4;
	_ =	sdelay $0x1  }
0x183: {  	(xrf1) =	vsort.dscd.msk.f32 $0xffff, v2, v2  }
0x184: {  	v2, _, _ =	vpop (xrf1)  }
0x185: {  	v4 =	vmax.f32 v10, v7;
	v7, _, _ =	vpop (xrf1)  }
0x186: {  	s22 =	simm.s32 $0x100;
	v6 =	vmax.f32 v13, v6;
	(xrf1) =	vsort.ascd.msk.f32 $0xffff, v4, v4;
	v9, _, _ =	vpop (xrf1)  }
0x187: {  	v17 =	vld [tilespmem:s22+$0x40B0];
	v2 =	vmax.f32 v2, v3;
	(xrf1) =	vsort.dscd.msk.f32 $0xffff, v6, v6;
	v3, _, _ =	vpop (xrf1)  }
0x188: {  	(xrf1) =	vsort.ascd.msk.f32 $0xffff, v2, v2;
	v2 =	vld [tilespmem:s22+$0x4070];
	v3 =	vmax.f32 v3, v8;
	v4, _, _ =	vpop (xrf1)  }
0x189: {  	v18 =	vld [tilespmem:s22+$0x40A0];
	v4 =	vmax.f32 v9, v4;
	(xrf1) =	vsort.ascd.msk.f32 $0xffff, v3, v3  }
0x18a: {  	v8 =	vld [tilespmem:s22+$0x40D0];
	v3 =	vmax.f32 v7, v5;
	(xrf1) =	vsort.dscd.msk.f32 $0xffff, v4, v4  }
0x18b: {  	(xrf1) =	vsort.dscd.msk.f32 $0xffff, v3, v3;
	v3 =	vld [tilespmem:s22+$0x4050]  }
0x18c: {  	v15 =	vld [tilespmem:s22+$0x40F0];
	(xrf1) =	vsort.ascd.msk.f32 $0xffff, v17, v17  }
0x18d: {  	v9 =	vld [tilespmem:s22+$0x4030];
	(xrf1) =	vsort.ascd.msk.f32 $0xffff, v2, v2  }
0x18e: {  	(xrf1) =	vsort.dscd.msk.f32 $0xffff, v18, v18  }
0x18f: {  	v21 =	vld [tilespmem:s22+$0x4080];
	(xrf1) =	vsort.ascd.msk.f32 $0xffff, v8, v8  }
0x190: {  	v10 =	vld [tilespmem:s22+$0x40E0];
	v5, _, _ =	vpop (xrf1);
	(xrf1) =	vsort.ascd.msk.f32 $0xffff, v3, v3  }
0x191: {  	v4 =	vld [tilespmem:s22+$0x4040];
	v6, _, _ =	vpop (xrf1);
	(xrf1) =	vsort.ascd.msk.f32 $0xffff, v15, v15  }
0x192: {  	v30 =	vld [tilespmem:s22+$0x4090];
	v6 =	vmax.f32 v6, v5;
	(xrf1) =	vsort.ascd.msk.f32 $0xffff, v9, v9  }
0x193: {  	v5 =	vld [tilespmem:s22+$0x4060];
	(xrf1) =	vsort.dscd.msk.f32 $0xffff, v6, v6  }
0x194: {  	v24, _, _ =	vpop (xrf1);
	v6 =	vld [tilespmem:s22+$0x40C0];
	(xrf1) =	vsort.dscd.msk.f32 $0xffff, v21, v21  }
0x195: {  	v13 =	vld [tilespmem:s22+$0x4000];
	v28, _, _ =	vpop (xrf1);
	(xrf1) =	vsort.dscd.msk.f32 $0xffff, v10, v10  }
0x196: {  	v7 =	vld [tilespmem:s22+$0x4020];
	v29, _, _ =	vpop (xrf1);
	(xrf1) =	vsort.dscd.msk.f32 $0xffff, v4, v4  }
0x197: {  	v22 =	vld [tilespmem:s22+$0x4010];
	v53, _, _ =	vpop (xrf1);
	(xrf1) =	vsort.ascd.msk.f32 $0xffff, v30, v30  }
0x198: {  	v54, _, _ =	vpop (xrf1);
	(xrf1) =	vsort.dscd.msk.f32 $0xffff, v5, v5  }
0x199: {  	v55, _, _ =	vpop (xrf1);
	(xrf1) =	vsort.dscd.msk.f32 $0xffff, v6, v6  }
0x19a: {  	v56, _, _ =	vpop (xrf1);
	(xrf1) =	vsort.dscd.msk.f32 $0xffff, v13, v13  }
0x19b: {  	(xrf1) =	vsort.dscd.msk.f32 $0xffff, v7, v7;
	v57, _, _ =	vpop (xrf1)  }
0x19c: {  	v24 =	vmax.f32 v55, v24;
	(xrf1) =	vsort.ascd.msk.f32 $0xffff, v22, v22;
	v58, _, _ =	vpop (xrf1)  }
0x19d: {  	v59, _, _ =	vpop (xrf1);
	(xrf1) =	vsort.dscd.msk.f32 $0xffff, v24, v24;
	v24 =	vmax.f32 v54, v53  }
0x19e: {  	v28 =	vmax.f32 v28, v29;
	v39 =	vmax.f32 v58, v56;
	v60, _, _ =	vpop (xrf1)  }
0x19f: {  	(xrf1) =	vsort.ascd.msk.f32 $0xffff, v39, v39;
	v29, _, _ =	vpop (xrf1)  }
0x1a0: {  	(xrf1) =	vsort.dscd.msk.f32 $0xffff, v24, v24;
	v24, _, _ =	vpop (xrf1)  }
0x1a1: {  	(xrf1) =	vsort.dscd.msk.f32 $0xffff, v28, v28;
	v28, _, _ =	vpop (xrf1)  }
0x1a2: {  	v61, _, _ =	vpop (xrf1)  }
0x1a3: {  	v28 =	vperm.xlane v28, v0;
	v62, _, _ =	vpop (xrf1)  }
0x1a4: {  	v63, _, _ =	vpop (xrf1)  }
0x1a5: {  	v47, _, _ =	vpop (xrf1)  }
0x1a6: {  	vm0 =	vge.f32 v16, v28;
	vm1 =	vge.f32 v20, v28;
	vm2 =	vge.f32 v19, v28;
	v48, _, _ =	vpop (xrf1)  }
0x1a7: {  	v49 =	vsel vm1, $0x3F800000, v1;
	vm1 =	vge.f32 v14, v28;
	v35 =	vmax.f32 v61, v47;
	v28, _, _ =	vpop (xrf1)  }
0x1a8: {  	v29 =	vmax.f32 v62, v29;
	v20 =	vmul.f32 v49, v20;
	(xrf1) =	vsort.dscd.msk.f32 $0xffff, v35, v35;
	v50, _, _ =	vpop (xrf1)  }
0x1a9: {  	v33 =	vmax.f32 v63, v60;
	(xrf1) =	vsort.ascd.msk.f32 $0xffff, v29, v29;
	v53, _, _ =	vpop (xrf1)  }
0x1aa: {  	v51 =	vmax.f32 v48, v57;
	[tilespmem:s1+$0x14090] =	vst v20;
	(xrf1) =	vsort.dscd.msk.f32 $0xffff, v33, v33;
	v20 =	vmax.f32 v53, v24  }
0x1ab: {  	s0 =	simm.s32 $0x200;
	v52 =	vsel vm1, $0x3F800000, v1;
	v24, _, _ =	vpop (xrf1);
	(xrf1) =	vsort.ascd.msk.f32 $0xffff, v51, v51  }
0x1ac: {  	v54 =	vmul.f32 v52, v14;
	v14 =	vld [tilespmem:s0+$0x40B0];
	v24 =	vmax.f32 v50, v24;
	(xrf1) =	vsort.ascd.msk.f32 $0xffff, v20, v20  }
0x1ad: {  	v55 =	vsel vm0, $0x3F800000, v1;
	v29 =	vsel vm2, $0x3F800000, v1;
	v28 =	vmax.f32 v28, v59;
	v20, _, _ =	vpop (xrf1);
	(xrf1) =	vsort.dscd.msk.f32 $0xffff, v24, v24  }
0x1ae: {  	[tilespmem:s1+$0xC080] =	vst v55;
	v19 =	vmul.f32 v29, v19;
	(xrf1) =	vsort.dscd.msk.f32 $0xffff, v28, v28  }
0x1af: {  	[tilespmem:s1+$0xC090] =	vst v49  }
0x1b0: {  	[tilespmem:s1+$0x140B0] =	vst v19;
	v19 =	vld [tilespmem:s0+$0x4070];
	v56, _, _ =	vpop (xrf1);
	v57 =	vperm.xlane v20, v0  }
0x1b1: {  	[tilespmem:s1+$0xC0A0] =	vst v52;
	v24 =	vmul.f32 v55, v16;
	v16 =	vld [tilespmem:s0+$0x40A0];
	v20, _, _ =	vpop (xrf1);
	(xrf1) =	vsort.ascd.msk.f32 $0xffff, v14, v14  }
0x1b2: {  	[tilespmem:s1+$0xC0B0] =	vst v29;
	v29 =	vld [tilespmem:s0+$0x40D0];
	v58 =	vperm.xlane v20, v0;
	v20, _, _ =	vpop (xrf1);
	vm0 =	vge.f32 v34, v57;
	vm1 =	vge.f32 v25, v57  }
0x1b3: {  	[tilespmem:s1+$0x140A0] =	vst v54;
	vm3 =	vge.f32 v26, v57;
	vm5 =	vge.f32 v31, v57;
	v47 =	vperm.xlane v20, v0;
	v20 =	vld [tilespmem:s0+$0x4050]  }
0x1b4: {  	v28 =	vld [tilespmem:s0+$0x40F0];
	[tilespmem:s1+$0x14080] =	vst v24;
	v46 =	vsel vm3, $0x3F800000, v1;
	v61 =	vsel vm0, $0x3F800000, v1;
	v45 =	vsel vm1, $0x3F800000, v1  }
0x1b5: {  	v33 =	vld [tilespmem:s0+$0x4030];
	(xrf1) =	vsort.ascd.msk.f32 $0xffff, v19, v19;
	v62 =	vsel vm5, $0x3F800000, v1;
	vm2 =	vge.f32 v36, v58;
	vm4 =	vge.f32 v38, v58  }
0x1b6: {  	vm3 =	vge.f32 v32, v58;
	(xrf1) =	vsort.dscd.msk.f32 $0xffff, v16, v16;
	v41 =	vmul.f32 v61, v34;
	[tilespmem:s1+$0xC0C0] =	vst v61;
	v49, _, _ =	vpop (xrf1)  }
0x1b7: {  	v24 =	vld [tilespmem:s0+$0x4080];
	v51 =	vmul.f32 v46, v26;
	v54 =	vmul.f32 v45, v25;
	[tilespmem:s1+$0xC0E0] =	vst v62;
	(xrf1) =	vsort.ascd.msk.f32 $0xffff, v29, v29;
	v52, _, _ =	vpop (xrf1)  }
0x1b8: {  	v35 =	vld [tilespmem:s0+$0x40E0];
	v55 =	vmul.f32 v62, v31;
	[tilespmem:s1+$0xC0F0] =	vst v46;
	v48 =	vsel vm3, $0x3F800000, v1;
	(xrf1) =	vsort.ascd.msk.f32 $0xffff, v20, v20;
	v53, _, _ =	vpop (xrf1)  }
0x1b9: {  	v59 =	vsel vm2, $0x3F800000, v1;
	vm2 =	vge.f32 v23, v58;
	v50 =	vmul.f32 v48, v32;
	v32 =	vld [tilespmem:s0+$0x4040];
	(xrf1) =	vsort.ascd.msk.f32 $0xffff, v28, v28;
	v31, _, _ =	vpop (xrf1)  }
0x1ba: {  	v26 =	vld [tilespmem:s0+$0x4090];
	[tilespmem:s1+$0xC030] =	vst v48;
	v39 =	vmax.f32 v49, v56;
	(xrf1) =	vsort.ascd.msk.f32 $0xffff, v33, v33;
	v48 =	vmax.f32 v53, v31;
	v31, _, _ =	vpop (xrf1)  }
0x1bb: {  	v34 =	vld [tilespmem:s0+$0x4060];
	v60 =	vsel vm4, $0x3F800000, v1;
	vm0 =	vge.f32 v27, v47;
	[tilespmem:s1+$0xC000] =	vst v59;
	(xrf1) =	vsort.dscd.msk.f32 $0xffff, v39, v39;
	v63, _, _ =	vpop (xrf1)  }
0x1bc: {  	v25 =	vld [tilespmem:s0+$0x40C0];
	vm1 =	vge.f32 v12, v47;
	[tilespmem:s1+$0xC010] =	vst v60;
	(xrf1) =	vsort.dscd.msk.f32 $0xffff, v24, v24;
	v53 =	vmax.f32 v63, v31;
	v31, _, _ =	vpop (xrf1)  }
0x1bd: {  	v44 =	vsel vm2, $0x3F800000, v1;
	[tilespmem:s1+$0x140D0] =	vst v54;
	(xrf1) =	vsort.dscd.msk.f32 $0xffff, v35, v35;
	v40 =	vmax.f32 v31, v52;
	v31 =	vld [tilespmem:s0+$0x4000]  }
0x1be: {  	v43 =	vmul.f32 v59, v36;
	v36 =	vld [tilespmem:s0+$0x4020];
	[tilespmem:s1+$0x140E0] =	vst v55;
	v49 =	vsel vm0, $0x3F800000, v1;
	(xrf1) =	vsort.dscd.msk.f32 $0xffff, v32, v32  }
0x1bf: {  	[tilespmem:s1+$0xC020] =	vst v44;
	vm0 =	vge.f32 v37, v47;
	v46 =	vmul.f32 v49, v27;
	v27 =	vld [tilespmem:s0+$0x4010];
	(xrf1) =	vsort.ascd.msk.f32 $0xffff, v26, v26  }
0x1c0: {  	v42 =	vmul.f32 v60, v38;
	[tilespmem:s1+$0x14030] =	vst v50;
	v50 =	vsel vm0, $0x3F800000, v1;
	(xrf1) =	vsort.dscd.msk.f32 $0xffff, v34, v34  }
0x1c1: {  	s11 =	simm.s32 $0x4;
	s12 =	simm.s32 $0x800;
	vm0 =	vge.f32 v11, v47;
	v47 =	vmul.f32 v50, v37;
	v54, _, _ =	vpop (xrf1);
	v52 =	vsel vm1, $0x3F800000, v1;
	(xrf1) =	vsort.dscd.msk.f32 $0xffff, v25, v25  }
.LBB2_4:
0x1c2: {  	s11 =	sadd.s32 $0x2, s11;
	(xrf1) =	vsort.dscd.msk.f32 $0xffff, v31, v31;
	v23 =	vmul.f32 v44, v23;
	v38 =	vsel vm0, $0x3F800000, v1;
	[tilespmem:s1+$0x140F0] =	vst v51;
	v37 =	vmovc v28  }
0x1c3: {  	v39 =	vmov v8;
	p0 =	slt.u32 s11, $0x7E;
	(xrf1) =	vsort.dscd.msk.f32 $0xffff, v36, v36;
	v28, _, _ =	vpop (xrf1);
	v44 =	vmul.f32 v38, v11;
	[tilespmem:s1+$0xC0D0] =	vst v45  }
0x1c4: {  	v8 =	vmov v29;
	v11 =	vmov v2;
	(xrf1) =	vsort.ascd.msk.f32 $0xffff, v27, v27;
	v45, _, _ =	vpop (xrf1);
	[tilespmem:s1+$0xC050] =	vst v52  }
0x1c5: {  	v2 =	vmov v19;
	v51 =	vmax.f32 v45, v54;
	v45, _, _ =	vpop (xrf1);
	(xrf1) =	vsort.dscd.msk.f32 $0xffff, v40, v40;
	[tilespmem:s1+$0x14000] =	vst v43  }
0x1c6: {  	v19, _, _ =	vpop (xrf1);
	(xrf1) =	vsort.ascd.msk.f32 $0xffff, v51, v51;
	[tilespmem:s1+$0x140C0] =	vst v41;
	v41 =	vmov v9;
	v9 =	vmov v33  }
0x1c7: {  	v43 =	vmov v10;
	v10 =	vmov v35;
	v29, _, _ =	vpop (xrf1);
	(xrf1) =	vsort.dscd.msk.f32 $0xffff, v53, v53;
	[tilespmem:s1+$0x14020] =	vst v23  }
0x1c8: {  	v40 =	vmov v4;
	v4 =	vmov v32;
	v33, _, _ =	vpop (xrf1);
	(xrf1) =	vsort.dscd.msk.f32 $0xffff, v48, v48;
	[tilespmem:s1+$0xC040] =	vst v49  }
0x1c9: {  	v23 =	vmov v7;
	v7 =	vmov v36;
	v32, _, _ =	vpop (xrf1);
	[tilespmem:s1+$0xC070] =	vst v38;
	v38 =	vmov v5  }
0x1ca: {  	v5 =	vmov v34;
	v35, _, _ =	vpop (xrf1);
	v32 =	vperm.xlane v32, v0;
	[tilespmem:s1+$0x14010] =	vst v42;
	v42 =	vmov v22  }
0x1cb: {  	v34 =	vmul.f32 v52, v12;
	v12 =	vmov v3;
	v3 =	vmov v20;
	v22, _, _ =	vpop (xrf1);
	[tilespmem:s1+$0xC060] =	vst v50  }
0x1cc: {  	v20, _, _ =	vpop (xrf1);
	vm0 =	vge.f32 v21, v32;
	vm1 =	vge.f32 v30, v32;
	vm2 =	vge.f32 v17, v32;
	[tilespmem:s1+$0x14040] =	vst v46  }
0x1cd: {  	v36, _, _ =	vpop (xrf1);
	v46 =	vsel vm0, $0x3F800000, v1;
	v48 =	vsel vm1, $0x3F800000, v1;
	v49 =	vsel vm2, $0x3F800000, v1;
	[tilespmem:s1+$0x14050] =	vst v34  }
0x1ce: {  	v22 =	vmax.f32 v22, v29;
	vm0 =	vge.f32 v18, v32;
	v34 =	vmax.f32 v35, v36;
	v29, _, _ =	vpop (xrf1);
	[tilespmem:s1+$0x14070] =	vst v44  }
0x1cf: {  	v29 =	vmax.f32 v29, v28;
	(xrf1) =	vsort.dscd.msk.f32 $0xffff, v34, v34;
	v32, _, _ =	vpop (xrf1);
	v28 =	vmul.f32 v48, v30;
	[tilespmem:s1+$0x14060] =	vst v47;
	s1 =	smov.u32 s22;
	s22 =	smov.u32 s0  }
0x1d0: {  	s12 =	sadd.s32 $0x400, s12;
	v19 =	vmax.f32 v20, v19;
	v30 =	vmul.f32 v49, v17;
	v20, _, _ =	vpop (xrf1);
	(xrf1) =	vsort.ascd.msk.f32 $0xffff, v22, v22;
	v22 =	vsel vm0, $0x3F800000, v1  }
0x1d1: {  	s0 =	sshra.s32 s12, $0x2;
	v34 =	vmul.f32 v46, v21;
	v17, _, _ =	vpop (xrf1);
	(xrf1) =	vsort.dscd.msk.f32 $0xffff, v19, v19;
	[tilespmem:s1+$0x14090] =	vst v28;
	v35 =	vmul.f32 v22, v18  }
0x1d2: {  	v28 =	vld [tilespmem:s0+$0x40F0];
	v33 =	vmax.f32 v17, v33;
	v21, _, _ =	vpop (xrf1);
	(xrf1) =	vsort.ascd.msk.f32 $0xffff, v29, v29;
	[tilespmem:s1+$0xC0A0] =	vst v22;
	v17 =	vmov v14  }
0x1d3: {  	v36 =	vmax.f32 v32, v45;
	v14 =	vld [tilespmem:s0+$0x40B0];
	v22 =	vmax.f32 v20, v21;
	(xrf1) =	vsort.ascd.msk.f32 $0xffff, v33, v33;
	[tilespmem:s1+$0x140B0] =	vst v30;
	v19, _, _ =	vpop (xrf1)  }
0x1d4: {  	v18 =	vmov v16;
	v29 =	vld [tilespmem:s0+$0x40D0];
	(xrf1) =	vsort.dscd.msk.f32 $0xffff, v22, v22;
	v47, _, _ =	vpop (xrf1);
	[tilespmem:s1+$0x140A0] =	vst v35;
	v32 =	vperm.xlane v19, v0  }
0x1d5: {  	v30 =	vmov v26;
	v21 =	vmov v24;
	v19 =	vld [tilespmem:s0+$0x4070];
	(xrf1) =	vsort.dscd.msk.f32 $0xffff, v36, v36;
	[tilespmem:s1+$0xC0B0] =	vst v49;
	v20, _, _ =	vpop (xrf1)  }
0x1d6: {  	v16 =	vld [tilespmem:s0+$0x40A0];
	v24 =	vperm.xlane v20, v0;
	[tilespmem:s1+$0x14080] =	vst v34;
	vm0 =	vge.f32 v6, v32;
	vm1 =	vge.f32 v39, v32;
	v20, _, _ =	vpop (xrf1)  }
0x1d7: {  	v22 =	vmovc v27;
	v27 =	vmovc v6;
	v6 =	vmov v25;
	v26 =	vld [tilespmem:s0+$0x4090];
	v52 =	vperm.xlane v20, v0;
	[tilespmem:s1+$0xC080] =	vst v46;
	v46 =	vmov v13  }
0x1d8: {  	vm4 =	vge.f32 v15, v32;
	v20 =	vld [tilespmem:s0+$0x4050];
	(xrf1) =	vsort.ascd.msk.f32 $0xffff, v14, v14;
	vm3 =	vge.f32 v46, v24;
	[tilespmem:s1+$0xC090] =	vst v48  }
0x1d9: {  	vm2 =	vge.f32 v43, v32;
	v50 =	vsel vm4, $0x3F800000, v1;
	v13 =	vmovc v31;
	vm5 =	vge.f32 v42, v24;
	v33 =	vld [tilespmem:s0+$0x4030]  }
0x1da: {  	vm4 =	vge.f32 v41, v24;
	v31 =	vsel vm3, $0x3F800000, v1;
	vm3 =	vge.f32 v23, v24;
	v35 =	vld [tilespmem:s0+$0x40E0];
	(xrf1) =	vsort.ascd.msk.f32 $0xffff, v19, v19  }
0x1db: {  	v48 =	vsel vm5, $0x3F800000, v1;
	v49 =	vsel vm4, $0x3F800000, v1;
	v44 =	vsel vm3, $0x3F800000, v1;
	v24 =	vld [tilespmem:s0+$0x4080];
	(xrf1) =	vsort.dscd.msk.f32 $0xffff, v16, v16  }
0x1dc: {  	v25 =	vsel vm0, $0x3F800000, v1;
	v45 =	vsel vm1, $0x3F800000, v1;
	v32 =	vld [tilespmem:s0+$0x4040];
	(xrf1) =	vsort.ascd.msk.f32 $0xffff, v29, v29;
	[tilespmem:s1+$0xC000] =	vst v31  }
0x1dd: {  	v54 =	vmul.f32 v49, v41;
	v41 =	vmul.f32 v25, v27;
	v36 =	vld [tilespmem:s0+$0x4020];
	(xrf1) =	vsort.ascd.msk.f32 $0xffff, v20, v20;
	v51, _, _ =	vpop (xrf1);
	[tilespmem:s1+$0xC010] =	vst v48  }
0x1de: {  	v53 =	vsel vm2, $0x3F800000, v1;
	v34 =	vld [tilespmem:s0+$0x4060];
	(xrf1) =	vsort.ascd.msk.f32 $0xffff, v28, v28;
	v47 =	vmax.f32 v51, v47;
	v55, _, _ =	vpop (xrf1);
	v51 =	vmul.f32 v50, v15  }
0x1df: {  	v39 =	vmul.f32 v45, v39;
	v56 =	vmul.f32 v53, v43;
	v27 =	vld [tilespmem:s0+$0x4010];
	(xrf1) =	vsort.ascd.msk.f32 $0xffff, v33, v33;
	v15, _, _ =	vpop (xrf1);
	[tilespmem:s1+$0xC0C0] =	vst v25  }
0x1e0: {  	v43 =	vmul.f32 v31, v46;
	v42 =	vmul.f32 v48, v42;
	v25 =	vld [tilespmem:s0+$0x40C0];
	v57, _, _ =	vpop (xrf1);
	(xrf1) =	vsort.dscd.msk.f32 $0xffff, v47, v47;
	[tilespmem:s1+$0xC030] =	vst v49  }
0x1e1: {  	vm0 =	vge.f32 v40, v52;
	v31 =	vld [tilespmem:s0+$0x4000];
	(xrf1) =	vsort.dscd.msk.f32 $0xffff, v24, v24;
	v48 =	vmax.f32 v15, v57;
	v15, _, _ =	vpop (xrf1);
	[tilespmem:s1+$0xC0E0] =	vst v53  }
.Ltmp1:
0x1e2: {  	vm1 =	vge.f32 v12, v52;
	v49 =	vsel vm0, $0x3F800000, v1;
	(xrf1) =	vsort.dscd.msk.f32 $0xffff, v35, v35;
	v46, _, _ =	vpop (xrf1);
	[tilespmem:s1+$0xC0F0] =	vst v50;
	(pc) =	sbr.rel @p0 .LBB2_4-.Ltmp1, $4  }
0x1e3: {  	(xrf1) =	vsort.dscd.msk.f32 $0xffff, v32, v32;
	v53 =	vmax.f32 v46, v15;
	v15, _, _ =	vpop (xrf1);
	[tilespmem:s1+$0xC020] =	vst v44;
	v46 =	vmul.f32 v49, v40  }
0x1e4: {  	vm0 =	vge.f32 v38, v52;
	(xrf1) =	vsort.ascd.msk.f32 $0xffff, v26, v26;
	v40 =	vmax.f32 v15, v55;
	[tilespmem:s1+$0x140D0] =	vst v39  }
0x1e5: {  	v50 =	vsel vm0, $0x3F800000, v1;
	vm0 =	vge.f32 v11, v52;
	v15 =	vmovc v37;
	(xrf1) =	vsort.dscd.msk.f32 $0xffff, v34, v34;
	[tilespmem:s1+$0x14030] =	vst v54  }
0x1e6: {  	v52 =	vsel vm1, $0x3F800000, v1;
	v47 =	vmul.f32 v50, v38;
	v54, _, _ =	vpop (xrf1);
	(xrf1) =	vsort.dscd.msk.f32 $0xffff, v25, v25;
	[tilespmem:s1+$0x140E0] =	vst v56  }
0x1e7: {  	_ = 	snop  }
0x1e8: {  	v37, _, _ =	vpop (xrf1)  }
0x1e9: {  	[tilespmem:s1+$0x140F0] =	vst v51;
	(xrf1) =	vsort.dscd.msk.f32 $0xffff, v31, v31;
	v38, _, _ =	vpop (xrf1)  }
0x1ea: {  	[tilespmem:s1+$0xC0D0] =	vst v45;
	(xrf1) =	vsort.dscd.msk.f32 $0xffff, v36, v36;
	v39, _, _ =	vpop (xrf1);
	v38 =	vmax.f32 v38, v54  }
0x1eb: {  	[tilespmem:s1+$0xC050] =	vst v52;
	(xrf1) =	vsort.ascd.msk.f32 $0xffff, v27, v27;
	v51, _, _ =	vpop (xrf1)  }
0x1ec: {  	[tilespmem:s1+$0x14000] =	vst v43;
	(xrf1) =	vsort.dscd.msk.f32 $0xffff, v40, v40;
	v54, _, _ =	vpop (xrf1)  }
0x1ed: {  	[tilespmem:s1+$0x140C0] =	vst v41;
	(xrf1) =	vsort.ascd.msk.f32 $0xffff, v38, v38;
	v38, _, _ =	vpop (xrf1)  }
0x1ee: {  	[tilespmem:s1+$0xC040] =	vst v49;
	(xrf1) =	vsort.dscd.msk.f32 $0xffff, v53, v53;
	v55, _, _ =	vpop (xrf1)  }
0x1ef: {  	[tilespmem:s1+$0x14010] =	vst v42;
	v56, _, _ =	vpop (xrf1)  }
0x1f0: {  	[tilespmem:s1+$0xC060] =	vst v50;
	v57, _, _ =	vpop (xrf1)  }
0x1f1: {  	v23 =	vmul.f32 v44, v23;
	v58 =	vsel vm0, $0x3F800000, v1;
	[tilespmem:s1+$0x14040] =	vst v46;
	v59, _, _ =	vpop (xrf1)  }
0x1f2: {  	v12 =	vmul.f32 v52, v12;
	[tilespmem:s1+$0xC070] =	vst v58;
	v43 =	vperm.xlane v55, v0;
	v60, _, _ =	vpop (xrf1)  }
0x1f3: {  	v11 =	vmul.f32 v58, v11;
	[tilespmem:s1+$0x14060] =	vst v47;
	(xrf1) =	vsort.dscd.msk.f32 $0xffff, v48, v48;
	v41 =	vmax.f32 v56, v60  }
0x1f4: {  	[tilespmem:s1+$0x14020] =	vst v23;
	vm10 =	vge.f32 v30, v43;
	vm1 =	vge.f32 v17, v43;
	(xrf1) =	vsort.dscd.msk.f32 $0xffff, v41, v41  }
0x1f5: {  	[tilespmem:s1+$0x14050] =	vst v12;
	vm2 =	vge.f32 v21, v43;
	v23 =	vmax.f32 v57, v54;
	vm11 =	vge.f32 v18, v43;
	v61, _, _ =	vpop (xrf1)  }
0x1f6: {  	[tilespmem:s1+$0x14070] =	vst v11;
	v62 =	vsel vm10, $0x3F800000, v1;
	v63 =	vsel vm1, $0x3F800000, v1;
	v52 =	vsel vm11, $0x3F800000, v1;
	v46, _, _ =	vpop (xrf1)  }
0x1f7: {  	v50 =	vmax.f32 v59, v51;
	v57 =	vsel vm2, $0x3F800000, v1;
	[tilespmem:s22+$0xC0A0] =	vst v52;
	v49, _, _ =	vpop (xrf1);
	(xrf1) =	vsort.ascd.msk.f32 $0xffff, v23, v23  }
0x1f8: {  	v48 =	vmul.f32 v62, v30;
	[tilespmem:s22+$0xC0B0] =	vst v63;
	v37 =	vmax.f32 v61, v37;
	v51, _, _ =	vpop (xrf1);
	(xrf1) =	vsort.dscd.msk.f32 $0xffff, v50, v50  }
0x1f9: {  	v53 =	vmul.f32 v63, v17;
	[tilespmem:s22+$0xC080] =	vst v57;
	v54, _, _ =	vpop (xrf1);
	v23 =	vmax.f32 v51, v38;
	(xrf1) =	vsort.ascd.msk.f32 $0xffff, v37, v37  }
0x1fa: {  	v55 =	vmul.f32 v52, v18;
	[tilespmem:s22+$0xC090] =	vst v62;
	v56, _, _ =	vpop (xrf1);
	v11 =	vmax.f32 v49, v54;
	(xrf1) =	vsort.ascd.msk.f32 $0xffff, v23, v23  }
0x1fb: {  	[tilespmem:s22+$0x14090] =	vst v48;
	v12 =	vmax.f32 v46, v39;
	v58, _, _ =	vpop (xrf1);
	(xrf1) =	vsort.dscd.msk.f32 $0xffff, v11, v11;
	v61 =	vperm.xlane v56, v0  }
0x1fc: {  	v59 =	vmul.f32 v57, v21;
	[tilespmem:s22+$0x140B0] =	vst v53;
	v60, _, _ =	vpop (xrf1);
	(xrf1) =	vsort.dscd.msk.f32 $0xffff, v12, v12  }
0x1fd: {  	[tilespmem:s22+$0x140A0] =	vst v55;
	vm14 =	vge.f32 v6, v61  }
0x1fe: {  	[tilespmem:s22+$0x14080] =	vst v59;
	vm5 =	vge.f32 v10, v61;
	v43 =	vsel vm14, $0x3F800000, v1  }
0x1ff: {  	v11 =	vperm.xlane v60, v0;
	vm6 =	vge.f32 v15, v61;
	v46 =	vsel vm5, $0x3F800000, v1;
	[tilespmem:s22+$0xC0C0] =	vst v43  }
0x200: {  	vm15 =	vge.f32 v8, v61;
	v47 =	vsel vm6, $0x3F800000, v1;
	[tilespmem:s22+$0xC0E0] =	vst v46  }
0x201: {  	v63, _, _ =	vpop (xrf1);
	v48 =	vsel vm15, $0x3F800000, v1;
	vm12 =	vge.f32 v13, v11;
	[tilespmem:s22+$0xC0F0] =	vst v47  }
0x202: {  	vm13 =	vge.f32 v22, v11;
	[tilespmem:s22+$0xC0D0] =	vst v48;
	v62 =	vsel vm12, $0x3F800000, v1;
	v44, _, _ =	vpop (xrf1)  }
0x203: {  	vm4 =	vge.f32 v9, v11;
	v42 =	vsel vm13, $0x3F800000, v1;
	[tilespmem:s22+$0xC000] =	vst v62;
	v17 =	vmax.f32 v44, v58  }
0x204: {  	vm7 =	vge.f32 v7, v11;
	v45 =	vsel vm4, $0x3F800000, v1;
	[tilespmem:s22+$0xC010] =	vst v42;
	(xrf1) =	vsort.dscd.msk.f32 $0xffff, v17, v17  }
0x205: {  	v51 =	vmul.f32 v48, v8;
	v49 =	vsel vm7, $0x3F800000, v1;
	[tilespmem:s22+$0xC030] =	vst v45;
	v50, _, _ =	vpop (xrf1)  }
0x206: {  	v54 =	vmul.f32 v46, v10;
	[tilespmem:s22+$0xC020] =	vst v49;
	v53, _, _ =	vpop (xrf1)  }
0x207: {  	v56 =	vperm.xlane v63, v0;
	v57 =	vmul.f32 v47, v15;
	[tilespmem:s22+$0x140D0] =	vst v51;
	v55, _, _ =	vpop (xrf1)  }
0x208: {  	v63 =	vmul.f32 v43, v6;
	[tilespmem:s22+$0x140E0] =	vst v54;
	v58, _, _ =	vpop (xrf1)  }
0x209: {  	vm8 =	vge.f32 v3, v56;
	[tilespmem:s22+$0x140F0] =	vst v57;
	v59, _, _ =	vpop (xrf1)  }
0x20a: {  	vm9 =	vge.f32 v4, v56;
	v61 =	vmul.f32 v62, v13;
	v62 =	vsel vm8, $0x3F800000, v1;
	[tilespmem:s22+$0x140C0] =	vst v63;
	v60, _, _ =	vpop (xrf1)  }
0x20b: {  	vm10 =	vge.f32 v2, v56;
	v21 =	vsel vm9, $0x3F800000, v1;
	[tilespmem:s22+$0xC050] =	vst v62;
	v10 =	vmax.f32 v60, v50  }
0x20c: {  	vm11 =	vge.f32 v5, v56;
	v37 =	vsel vm10, $0x3F800000, v1;
	[tilespmem:s22+$0xC040] =	vst v21;
	(xrf1) =	vsort.dscd.msk.f32 $0xffff, v10, v10  }
0x20d: {  	v52 =	vmul.f32 v45, v9;
	v41 =	vsel vm11, $0x3F800000, v1;
	[tilespmem:s22+$0xC070] =	vst v37  }
0x20e: {  	[tilespmem:s22+$0xC060] =	vst v41  }
0x20f: {  	v18 =	vmul.f32 v49, v7;
	[tilespmem:s22+$0x14030] =	vst v52  }
0x210: {  	v30 =	vmul.f32 v42, v22;
	[tilespmem:s22+$0x14000] =	vst v61;
	v9 =	vmax.f32 v59, v58  }
0x211: {  	v40 =	vmul.f32 v21, v4;
	[tilespmem:s22+$0x14020] =	vst v18;
	(xrf1) =	vsort.dscd.msk.f32 $0xffff, v9, v9  }
0x212: {  	v3 =	vmul.f32 v62, v3;
	[tilespmem:s22+$0x14010] =	vst v30;
	v39, _, _ =	vpop (xrf1)  }
0x213: {  	v2 =	vmul.f32 v37, v2;
	[tilespmem:s22+$0x14040] =	vst v40;
	v8 =	vperm.xlane v39, v0  }
0x214: {  	v42 =	vmul.f32 v41, v5;
	[tilespmem:s22+$0x14050] =	vst v3  }
0x215: {  	[tilespmem:s22+$0x14070] =	vst v2;
	v44 =	vmax.f32 v53, v55;
	vm14 =	vge.f32 v16, v8  }
0x216: {  	[tilespmem:s22+$0x14060] =	vst v42;
	(xrf1) =	vsort.dscd.msk.f32 $0xffff, v44, v44;
	vm13 =	vge.f32 v14, v8;
	v45 =	vsel vm14, $0x3F800000, v1  }
0x217: {  	vm12 =	vge.f32 v26, v8;
	vm15 =	vge.f32 v24, v8;
	v3 =	vsel vm13, $0x3F800000, v1;
	[tilespmem:s0+$0xC0A0] =	vst v45  }
0x218: {  	v43 =	vsel vm12, $0x3F800000, v1;
	v47 =	vsel vm15, $0x3F800000, v1;
	[tilespmem:s0+$0xC0B0] =	vst v3  }
0x219: {  	v2 =	vmul.f32 v43, v26;
	[tilespmem:s0+$0xC080] =	vst v47  }
0x21a: {  	v46 =	vmul.f32 v3, v14;
	v49 =	vmul.f32 v47, v24;
	[tilespmem:s0+$0xC090] =	vst v43;
	v48, _, _ =	vpop (xrf1)  }
0x21b: {  	[tilespmem:s0+$0x14090] =	vst v2;
	v2 =	vmul.f32 v45, v16;
	v3 =	vperm.xlane v48, v0  }
0x21c: {  	[tilespmem:s0+$0x140B0] =	vst v46  }
0x21d: {  	[tilespmem:s0+$0x14080] =	vst v49;
	vm6 =	vge.f32 v25, v3  }
0x21e: {  	[tilespmem:s0+$0x140A0] =	vst v2;
	vm8 =	vge.f32 v35, v3;
	v52 =	vsel vm6, $0x3F800000, v1  }
0x21f: {  	vm9 =	vge.f32 v29, v3;
	vm10 =	vge.f32 v28, v3;
	v2, _, _ =	vpop (xrf1);
	v3 =	vsel vm8, $0x3F800000, v1;
	[tilespmem:s0+$0xC0C0] =	vst v52  }
0x220: {  	v54 =	vsel vm10, $0x3F800000, v1;
	v2 =	vperm.xlane v2, v0;
	[tilespmem:s0+$0xC0E0] =	vst v3;
	v3 =	vmul.f32 v3, v35  }
0x221: {  	[tilespmem:s0+$0xC0F0] =	vst v54;
	v8 =	vmul.f32 v54, v28  }
0x222: {  	vm4 =	vge.f32 v31, v2;
	vm5 =	vge.f32 v27, v2;
	[tilespmem:s0+$0x140E0] =	vst v3  }
0x223: {  	vm7 =	vge.f32 v33, v2;
	vm11 =	vge.f32 v36, v2;
	v2 =	vsel vm9, $0x3F800000, v1;
	[tilespmem:s0+$0x140F0] =	vst v8  }
0x224: {  	v50 =	vsel vm4, $0x3F800000, v1;
	[tilespmem:s0+$0xC0D0] =	vst v2  }
0x225: {  	v57, _, _ =	vpop (xrf1);
	v51 =	vsel vm5, $0x3F800000, v1;
	[tilespmem:s0+$0xC000] =	vst v50  }
0x226: {  	v58 =	vperm.xlane v57, v0;
	v53 =	vsel vm7, $0x3F800000, v1;
	[tilespmem:s0+$0xC010] =	vst v51  }
0x227: {  	v55 =	vsel vm11, $0x3F800000, v1;
	v56 =	vmul.f32 v2, v29;
	[tilespmem:s0+$0xC030] =	vst v53  }
0x228: {  	vm12 =	vge.f32 v20, v58;
	[tilespmem:s0+$0xC020] =	vst v55  }
0x229: {  	v2 =	vmul.f32 v52, v25;
	v59 =	vsel vm12, $0x3F800000, v1;
	[tilespmem:s0+$0x140D0] =	vst v56  }
0x22a: {  	vm14 =	vge.f32 v19, v58;
	[tilespmem:s0+$0xC050] =	vst v59  }
0x22b: {  	vm15 =	vge.f32 v34, v58;
	v61 =	vsel vm14, $0x3F800000, v1;
	[tilespmem:s0+$0x140C0] =	vst v2  }
0x22c: {  	v7 =	vmul.f32 v53, v33;
	v62 =	vsel vm15, $0x3F800000, v1;
	[tilespmem:s0+$0xC070] =	vst v61  }
0x22d: {  	v3 =	vmul.f32 v50, v31;
	[tilespmem:s0+$0xC060] =	vst v62  }
0x22e: {  	v60 =	vmul.f32 v55, v36;
	[tilespmem:s0+$0x14030] =	vst v7  }
0x22f: {  	vm13 =	vge.f32 v32, v58;
	[tilespmem:s0+$0x14000] =	vst v3  }
0x230: {  	v2 =	vsel vm13, $0x3F800000, v1;
	v63 =	vmul.f32 v61, v19;
	[tilespmem:s0+$0x14020] =	vst v60  }
0x231: {  	v3 =	vmul.f32 v51, v27;
	[tilespmem:s0+$0xC040] =	vst v2  }
0x232: {  	v2 =	vmul.f32 v2, v32;
	[tilespmem:s0+$0x14070] =	vst v63  }
0x233: {  	[tilespmem:s0+$0x14010] =	vst v3;
	v3 =	vmul.f32 v59, v20  }
0x234: {  	[tilespmem:s0+$0x14040] =	vst v2;
	v2 =	vmul.f32 v62, v34  }
0x235: {  	[tilespmem:s0+$0x14050] =	vst v3  }
0x236: {  	[tilespmem:s0+$0x14060] =	vst v2  }
0x237: {  	[hbm4b:s7+s2] =	stream.linear.scatter [tilespmem:s15], [sflag:$0x4], $0x4000, $0x38;
	[tilespmem:$0x18000] =	vst v63  }
0x238: {  	_ = 	snop  }
0x239: {  	[hbm4b:s8+s2] =	stream.linear.scatter [tilespmem:s16], [sflag:$0x6], $0x4000, $0x38;
	[tilespmem:$0x18000] =	vst v63  }
0x23a: {  	_ =	swait.ge [sflag:s17], $0x4000  }
0x23b: {  	[sflag:s17] =	ssyncset.done $0x0  }
0x23c: {  	[sflag:s17] =	ssyncadd.s32 $0xFFFFC000  }
0x23d: {  	_ =	swait.ge [sflag:s18], $0x4000  }
0x23e: {  	[sflag:s18] =	ssyncset.done $0x0  }
0x23f: {  	s21 =	sadd.s32 $0x1, s21;
	[sflag:s18] =	ssyncadd.s32 $0xFFFFC000  }
0x240: {  	p0 =	sne.s32 s21, s9;
	_ =	swait.ge [sflag:s19], $0x4000  }
.Ltmp2:
0x241: {  	[sflag:s19] =	ssyncset.done $0x0;
	(pc) =	sbr.rel @p0 .LBB2_1-.Ltmp2, $4  }
0x242: {  	[sflag:s19] =	ssyncadd.s32 $0xFFFFC000  }
0x243: {  	_ =	swait.ge [sflag:s20], $0x4000  }
0x244: {  	[sflag:s20] =	ssyncset.done $0x0  }
0x245: {  	[sflag:s20] =	ssyncadd.s32 $0xFFFFC000  }
0x246: {  	_ =	sfence.sel $0x180000  }
0x247: {  	[bflag:$0x0] =	sbarrier.arrive $0xFFFF  }
0x248: {  	_ =	strace $0x90000047  }
0x249: {  	s0 =	stileid.u32;
	[bflag:$0x2] =	sbarrier.arrive $0xFFFF  }
0x24a: {  	p0 =	sne.s32 s0, $0x0;
	s0 =	rddreg [dreg:$0x3]  }
0x24b: {  	s0 =	sadd.s32 @!p0 $0x100000, s0  }
0x24c: {  	[sflag:s0] =	ssyncadd.tile.s32 @!p0 $0x1;
	_ =	shalt  }
.Lfunc_end2:
_tile_overlayer_lowered:
.L_overlay_start_2:
0x24d: {  	(tag) =	ssettag $0x2  }
0x24e: {  	s0 =	rddreg [dreg:$0x0];
	s2 =	stileid.u32  }
0x24f: {  	s1 =	rddreg [dreg:$0x1];
	p0 =	sne.s32 s2, $0x0  }
0x250: {  	s3 =	rddreg [dreg:$0x2];
	[bflag:$0x3] =	sbarrier.arrive $0xFFFF;
	s2 =	simm.s32 @!p0 $0x1C07  }
0x251: {  	[timem:s3], [sflag:s2] =	dma.local @!p0 [hbm:s0], s1  }
0x252: {  	s0 =	simm.s32 @!p0 $0x7  }
0x253: {  	_ =	swait.ge @!p0 [sflag:s0], s1  }
0x254: {  	s1 =	ssub.s32 @!p0 $0x0, s1;
	[sflag:s0] =	ssyncset.done @!p0 $0x0  }
0x255: {  	[sflag:s0] =	ssyncadd.s32 @!p0 s1  }
0x256: {  	[bflag:$0x3] =	sbarrier.arrive $0xFFFF  }
0x257: {  	_ =	shalt  }

</sc_bundles>
